<compile_context>
chip_gen: v7x
topology: tpu7x:2x2x1
jax: 0.10.2.dev20260603
libtpu: 0.0.44.dev20260713+nightly
codegen_flags: <defaults>
</compile_context>

<pallas_src>
import functools

import jax
import jax.numpy as jnp
from jax import lax
from jax.experimental import pallas as pl
from jax.experimental.pallas import tpu as pltpu
from jax.experimental.pallas import tpu_sc as plsc

NUM_EMBEDDINGS = 1000000
DIM = 32
PADW = 128
BATCH = 16384
FIELDS = 100
NC = 2
NS = 16
NW = NC * NS
B_PER_W = BATCH // NW
IDXBLK = 128
NIDX = B_PER_W // IDXBLK
NBUF = 3

_FSTARTS = (0, 16, 32, 48, 64, 80, 84)

_mesh = plsc.VectorSubcoreMesh(core_axis_name="c", subcore_axis_name="s")


@functools.partial(
    pl.kernel,
    mesh=_mesh,
    out_type=jax.ShapeDtypeStruct((FIELDS, DIM, BATCH), jnp.float32),
    compiler_params=pltpu.CompilerParams(
        use_tc_tiling_on_sc=True, needs_layout_passes=False
    ),
    scratch_types=[
        pltpu.VMEM((2, FIELDS, IDXBLK), jnp.int32),
        pltpu.VMEM((NBUF, IDXBLK, PADW), jnp.float32),
        pltpu.VMEM((NBUF, DIM, IDXBLK), jnp.float32),
        pltpu.SemaphoreType.DMA,
        pltpu.SemaphoreType.DMA,
        pltpu.SemaphoreType.DMA,
    ],
)
def _emb_lookup(idx_hbm, table_hbm, out_hbm, idxt_v, rows_v, cpt_v,
                isem, gsem, osem):
    wid = lax.axis_index("s") * NC + lax.axis_index("c")
    base = wid * B_PER_W
    iota = lax.iota(jnp.int32, 16)

    def diag_transpose(src, dst, rstarts, cstarts):
        def step(k, carry):
            colp = lax.bitwise_and(iota + k, 15)
            for r0 in rstarts:
                ridx = iota + r0
                for c0 in cstarts:
                    cidx = colp + c0
                    val = plsc.load_gather(src, [ridx, cidx])
                    plsc.store_scatter(dst, [cidx, ridx], val)
            return carry

        lax.fori_loop(0, 16, step, 0)

    def start_idx(g, slot):
        pltpu.async_copy(
            idx_hbm.at[slice(None), pl.ds(base + g * IDXBLK, IDXBLK)],
            idxt_v.at[slot], isem,
        )

    def wait_idx(g, slot):
        pltpu.make_async_copy(
            idx_hbm.at[slice(None), pl.ds(base + g * IDXBLK, IDXBLK)],
            idxt_v.at[slot], isem,
        ).wait()

    def start_gather(g_slot, f, slot):
        pltpu.async_copy(
            table_hbm.at[idxt_v.at[g_slot, f]], rows_v.at[slot], gsem
        )

    def wait_gather(g_slot, f, slot):
        pltpu.make_async_copy(
            table_hbm.at[idxt_v.at[g_slot, f]], rows_v.at[slot], gsem
        ).wait()

    def start_store(g, f, slot):
        pltpu.async_copy(
            cpt_v.at[slot],
            out_hbm.at[f, slice(None), pl.ds(base + g * IDXBLK, IDXBLK)],
            osem,
        )

    def wait_store(g, f, slot):
        pltpu.make_async_copy(
            cpt_v.at[slot],
            out_hbm.at[f, slice(None), pl.ds(base + g * IDXBLK, IDXBLK)],
            osem,
        ).wait()

    _RSTARTS = tuple(range(0, IDXBLK, 16))

    start_idx(0, 0)

    def idx_block(g, carry):
        g_slot = g % 2
        wait_idx(g, g_slot)

        @pl.when(g + 1 < NIDX)
        def _():
            start_idx(g + 1, (g + 1) % 2)

        def slot_free(f):
            fprev = f - NBUF

            @pl.when((g > 0) | (fprev >= 0))
            def _():
                gp = jnp.where(fprev >= 0, g, g - 1)
                fp = jnp.where(fprev >= 0, fprev, FIELDS + fprev)
                wait_store(gp, fp, fprev % NBUF)

        for p in range(2):
            slot_free(p)
            start_gather(g_slot, p, p % NBUF)

        def field(f, carry):
            slot = f % NBUF

            @pl.when(f + 2 < FIELDS)
            def _():
                slot_free(f + 2)
                start_gather(g_slot, f + 2, (f + 2) % NBUF)

            wait_gather(g_slot, f, slot)
            diag_transpose(rows_v.at[slot], cpt_v.at[slot], _RSTARTS, (0, 16))
            start_store(g, f, slot)
            return carry

        lax.fori_loop(0, FIELDS, field, 0)
        return carry

    lax.fori_loop(0, NIDX, idx_block, 0)

    def drain(k, carry):
        f = FIELDS - NBUF + k
        wait_store(NIDX - 1, f, f % NBUF)
        return carry

    lax.fori_loop(0, NBUF, drain, 0)


TBK = 8192


def _padT_body(in_ref, out_ref):
    out_ref[:, :DIM] = jnp.transpose(in_ref[...], (1, 0))


def _pad_table(wT):
    return pl.pallas_call(
        _padT_body,
        grid=(pl.cdiv(NUM_EMBEDDINGS, TBK),),
        in_specs=[pl.BlockSpec((DIM, TBK), lambda i: (0, i))],
        out_specs=pl.BlockSpec((TBK, PADW), lambda i: (i, 0)),
        out_shape=jax.ShapeDtypeStruct((NUM_EMBEDDINGS, PADW), jnp.float32),
    )(wT)


def kernel(input_, weight):
    wpad = _pad_table(weight.T)
    out = _emb_lookup(input_.astype(jnp.int32).T, wpad)
    return jnp.transpose(out, (2, 0, 1))

# --- scband reference (transcript-rebuilt; emitter-appended) ---
"""Pipeline reference for scband-parallel-embedding-83159156785261 (READ-ONLY COPY).

The authoritative reference and input builder live on the scoring server;
editing this copy changes nothing except your own understanding.
"""

import jax, jax.numpy as jnp
import numpy as np

NUM_EMBEDDINGS = 1000000
EMBEDDING_DIM = 32
BATCH = 16384
FIELDS = 100

def setup_inputs(seed: int = 0) -> dict:
    key = jax.random.key(seed)
    k_idx, k_w = jax.random.split(key)
    input_ = jax.random.randint(k_idx, (BATCH, FIELDS), 0, NUM_EMBEDDINGS, dtype=jnp.int64 if jax.config.jax_enable_x64 else jnp.int32)
    weight = jax.random.normal(k_w, (NUM_EMBEDDINGS, EMBEDDING_DIM), dtype=jnp.float32)
    return {"input_": input_, "weight": weight}

def reference(input_, weight):
    # tensor_model_parallel_size == 1 path: plain embedding lookup
    # F.embedding(masked_input.long(), self.weight) with no padding_idx/max_norm
    out = jnp.take(weight, input_, axis=0)
    return out

if __name__ == "__main__":
    import jax
    _d = setup_inputs()
    print(jax.jit(kernel)(*tuple(_d.values())))

</pallas_src>

<mosaic_0001>
#map = affine_map<(d0, d1) -> (0, 0)>
#map1 = affine_map<(d0, d1) -> (0, 0, 0)>
module attributes {stable_mosaic.version = 14 : i64} {
  func.func @_emb_lookup(%arg0: i32, %arg1: i32, %arg2: memref<100x16384xi32, #tpu.memory_space<hbm>>, %arg3: memref<1000000x128xf32, #tpu.memory_space<hbm>>, %arg4: memref<100x32x16384xf32, #tpu.memory_space<hbm>>, %arg5: memref<2x100x128xi32, #tpu.memory_space<vmem>>, %arg6: memref<3x128x128xf32, #tpu.memory_space<vmem>>, %arg7: memref<3x32x128xf32, #tpu.memory_space<vmem>>, %arg8: memref<!tpu.dma_semaphore, #tpu.memory_space<semaphore_mem>>, %arg9: memref<!tpu.dma_semaphore, #tpu.memory_space<semaphore_mem>>, %arg10: memref<!tpu.dma_semaphore, #tpu.memory_space<semaphore_mem>>) attributes {dimension_semantics = [#tpu.dimension_semantics<core_parallel>, #tpu.dimension_semantics<subcore_parallel>], iteration_bounds = array<i64: 2, 16>, scalar_prefetch = 0 : i64, scratch_operands = 6 : i64, tpu.core_type = #tpu.core_type<sc_vector_subcore>, window_params = [{transform_indices = #map}, {transform_indices = #map}, {transform_indices = #map1}]} {
    %mul3A = arith.constant 2 : i32
    %mul3A_0 = arith.muli %arg1, %mul3A : i32
    %add3A = arith.addi %mul3A_0, %arg0 : i32
    %mul3A_1 = arith.constant 512 : i32
    %mul3A_2 = arith.muli %add3A, %mul3A_1 : i32
    %iota3A = tpu.iota {dimensions = array<i32: 0>} : vector<16xi32>
    %add3A_3 = arith.constant 0 : i32
    %add3A_4 = arith.addi %mul3A_2, %add3A_3 : i32
    %dma_start3A = arith.constant 0 : i32
    %dma_start3A_5 = arith.constant 0 : i32
    %dma_start3A_6 = arith.constant 0 : i32
    %dma_start3A_7 = tpu.memref_slice %arg5[%dma_start3A, %dma_start3A_5, %dma_start3A_6] : memref<2x100x128xi32, #tpu.memory_space<vmem>> -> memref<1x100x128xi32, #tpu.memory_space<vmem>>
    %dma_start3A_8 = tpu.memref_squeeze %dma_start3A_7 : memref<1x100x128xi32, #tpu.memory_space<vmem>> -> memref<100x128xi32, #tpu.memory_space<vmem>>
    %dma_start3A_9 = arith.constant 0 : i32
    %dma_start3A_10 = tpu.memref_slice %arg2[%dma_start3A_9, %add3A_4] : memref<100x16384xi32, #tpu.memory_space<hbm>> -> memref<100x128xi32, #tpu.memory_space<hbm>>
    %dma_start3A_11 = arith.constant 0 : i32
    %dma_start3A_12 = arith.constant 0 : i32
    %dma_start3A_13 = tpu.memref_slice %arg5[%dma_start3A, %dma_start3A_11, %dma_start3A_12] : memref<2x100x128xi32, #tpu.memory_space<vmem>> -> memref<1x100x128xi32, #tpu.memory_space<vmem>>
    %dma_start3A_14 = tpu.memref_squeeze %dma_start3A_13 : memref<1x100x128xi32, #tpu.memory_space<vmem>> -> memref<100x128xi32, #tpu.memory_space<vmem>>
    %dma_start3A_15 = arith.constant 0 : i32
    %dma_start3A_16 = tpu.memref_slice %arg2[%dma_start3A_15, %add3A_4] : memref<100x16384xi32, #tpu.memory_space<hbm>> -> memref<100x128xi32, #tpu.memory_space<hbm>>
    tpu.enqueue_dma source(%dma_start3A_16 : memref<100x128xi32, #tpu.memory_space<hbm>>) target(%dma_start3A_14 : memref<100x128xi32, #tpu.memory_space<vmem>>) target_semaphore(%arg8 : memref<!tpu.dma_semaphore, #tpu.memory_space<semaphore_mem>>)
    %scan3A = arith.constant 0 : i32
    %scan3A_17 = arith.constant 0 : i32
    %scan3A_18 = arith.constant 4 : i32
    %scan3A_19 = arith.addi %scan3A_17, %scan3A_18 : i32
    %scan3A_20 = arith.constant 1 : i32
    scf.for %scan3A_28 = %scan3A_17 to %scan3A_19 step %scan3A_20  : i32 {
      %jit3A = arith.constant 2 : i32
      %eq3A = arith.constant 0 : i32
      %eq3A_29 = arith.cmpi eq, %jit3A, %eq3A : i32
      %jit3A_30 = arith.constant 1 : i32
      %select_n3A = arith.select %eq3A_29, %jit3A_30, %jit3A : i32
      %rem3A = arith.remsi %scan3A_28, %select_n3A : i32
      %ne3A = arith.constant 0 : i32
      %ne3A_31 = arith.cmpi ne, %rem3A, %ne3A : i32
      %lt3A = arith.constant 0 : i32
      %lt3A_32 = arith.cmpi slt, %rem3A, %lt3A : i32
      %lt3A_33 = arith.constant 0 : i32
      %lt3A_34 = arith.cmpi slt, %select_n3A, %lt3A_33 : i32
      %ne3A_35 = arith.xori %lt3A_32, %lt3A_34 : i1
      %and3A = arith.andi %ne3A_35, %ne3A_31 : i1
      %add3A_36 = arith.addi %rem3A, %select_n3A : i32
      %select_n3A_37 = arith.select %and3A, %add3A_36, %rem3A : i32
      %mul3A_38 = arith.constant 128 : i32
      %mul3A_39 = arith.muli %scan3A_28, %mul3A_38 : i32
      %add3A_40 = arith.addi %mul3A_2, %mul3A_39 : i32
      %dma_wait3A = arith.constant 0 : i32
      %dma_wait3A_41 = arith.constant 0 : i32
      %dma_wait3A_42 = tpu.memref_slice %arg5[%select_n3A_37, %dma_wait3A, %dma_wait3A_41] : memref<2x100x128xi32, #tpu.memory_space<vmem>> -> memref<1x100x128xi32, #tpu.memory_space<vmem>>
      %dma_wait3A_43 = tpu.memref_squeeze %dma_wait3A_42 : memref<1x100x128xi32, #tpu.memory_space<vmem>> -> memref<100x128xi32, #tpu.memory_space<vmem>>
      %dma_wait3A_44 = arith.constant 0 : i32
      %dma_wait3A_45 = tpu.memref_slice %arg2[%dma_wait3A_44, %add3A_40] : memref<100x16384xi32, #tpu.memory_space<hbm>> -> memref<100x128xi32, #tpu.memory_space<hbm>>
      %dma_wait3A_46 = arith.constant 0 : i32
      %dma_wait3A_47 = arith.constant 0 : i32
      %dma_wait3A_48 = tpu.memref_slice %arg5[%select_n3A_37, %dma_wait3A_46, %dma_wait3A_47] : memref<2x100x128xi32, #tpu.memory_space<vmem>> -> memref<1x100x128xi32, #tpu.memory_space<vmem>>
      %dma_wait3A_49 = tpu.memref_squeeze %dma_wait3A_48 : memref<1x100x128xi32, #tpu.memory_space<vmem>> -> memref<100x128xi32, #tpu.memory_space<vmem>>
      %dma_wait3A_50 = arith.constant 0 : i32
      %dma_wait3A_51 = tpu.memref_slice %arg2[%dma_wait3A_50, %add3A_40] : memref<100x16384xi32, #tpu.memory_space<hbm>> -> memref<100x128xi32, #tpu.memory_space<hbm>>
      tpu.wait_dma2 semaphore(%arg8 : memref<!tpu.dma_semaphore, #tpu.memory_space<semaphore_mem>>) src(%dma_wait3A_51 : memref<100x128xi32, #tpu.memory_space<hbm>>) dst(%dma_wait3A_49 : memref<100x128xi32, #tpu.memory_space<vmem>>)
      %add3A_52 = arith.constant 1 : i32
      %add3A_53 = arith.addi %scan3A_28, %add3A_52 : i32
      %lt3A_54 = arith.constant 4 : i32
      %lt3A_55 = arith.cmpi slt, %add3A_53, %lt3A_54 : i32
      %convert_element_type3A = arith.extui %lt3A_55 : i1 to i32
      %cond3A = arith.constant 0 : i32
      %cond3A_56 = arith.cmpi ne, %convert_element_type3A, %cond3A : i32
      scf.if %cond3A_56 {
        %add3A_99 = arith.constant 1 : i32
        %add3A_100 = arith.addi %scan3A_28, %add3A_99 : i32
        %add3A_101 = arith.constant 1 : i32
        %add3A_102 = arith.addi %scan3A_28, %add3A_101 : i32
        %jit3A_103 = arith.constant 2 : i32
        %eq3A_104 = arith.constant 0 : i32
        %eq3A_105 = arith.cmpi eq, %jit3A_103, %eq3A_104 : i32
        %jit3A_106 = arith.constant 1 : i32
        %select_n3A_107 = arith.select %eq3A_105, %jit3A_106, %jit3A_103 : i32
        %rem3A_108 = arith.remsi %add3A_102, %select_n3A_107 : i32
        %ne3A_109 = arith.constant 0 : i32
        %ne3A_110 = arith.cmpi ne, %rem3A_108, %ne3A_109 : i32
        %lt3A_111 = arith.constant 0 : i32
        %lt3A_112 = arith.cmpi slt, %rem3A_108, %lt3A_111 : i32
        %lt3A_113 = arith.constant 0 : i32
        %lt3A_114 = arith.cmpi slt, %select_n3A_107, %lt3A_113 : i32
        %ne3A_115 = arith.xori %lt3A_112, %lt3A_114 : i1
        %and3A_116 = arith.andi %ne3A_115, %ne3A_110 : i1
        %add3A_117 = arith.addi %rem3A_108, %select_n3A_107 : i32
        %select_n3A_118 = arith.select %and3A_116, %add3A_117, %rem3A_108 : i32
        %mul3A_119 = arith.constant 128 : i32
        %mul3A_120 = arith.muli %add3A_100, %mul3A_119 : i32
        %add3A_121 = arith.addi %mul3A_2, %mul3A_120 : i32
        %dma_start3A_122 = arith.constant 0 : i32
        %dma_start3A_123 = arith.constant 0 : i32
        %dma_start3A_124 = tpu.memref_slice %arg5[%select_n3A_118, %dma_start3A_122, %dma_start3A_123] : memref<2x100x128xi32, #tpu.memory_space<vmem>> -> memref<1x100x128xi32, #tpu.memory_space<vmem>>
        %dma_start3A_125 = tpu.memref_squeeze %dma_start3A_124 : memref<1x100x128xi32, #tpu.memory_space<vmem>> -> memref<100x128xi32, #tpu.memory_space<vmem>>
        %dma_start3A_126 = arith.constant 0 : i32
        %dma_start3A_127 = tpu.memref_slice %arg2[%dma_start3A_126, %add3A_121] : memref<100x16384xi32, #tpu.memory_space<hbm>> -> memref<100x128xi32, #tpu.memory_space<hbm>>
        %dma_start3A_128 = arith.constant 0 : i32
        %dma_start3A_129 = arith.constant 0 : i32
        %dma_start3A_130 = tpu.memref_slice %arg5[%select_n3A_118, %dma_start3A_128, %dma_start3A_129] : memref<2x100x128xi32, #tpu.memory_space<vmem>> -> memref<1x100x128xi32, #tpu.memory_space<vmem>>
        %dma_start3A_131 = tpu.memref_squeeze %dma_start3A_130 : memref<1x100x128xi32, #tpu.memory_space<vmem>> -> memref<100x128xi32, #tpu.memory_space<vmem>>
        %dma_start3A_132 = arith.constant 0 : i32
        %dma_start3A_133 = tpu.memref_slice %arg2[%dma_start3A_132, %add3A_121] : memref<100x16384xi32, #tpu.memory_space<hbm>> -> memref<100x128xi32, #tpu.memory_space<hbm>>
        tpu.enqueue_dma source(%dma_start3A_133 : memref<100x128xi32, #tpu.memory_space<hbm>>) target(%dma_start3A_131 : memref<100x128xi32, #tpu.memory_space<vmem>>) target_semaphore(%arg8 : memref<!tpu.dma_semaphore, #tpu.memory_space<semaphore_mem>>)
      } else {
      }
      %gt3A = arith.constant 0 : i32
      %gt3A_57 = arith.cmpi sgt, %scan3A_28, %gt3A : i32
      %or3A = arith.constant false
      %or3A_58 = arith.ori %gt3A_57, %or3A : i1
      %convert_element_type3A_59 = arith.extui %or3A_58 : i1 to i32
      %cond3A_60 = arith.constant 0 : i32
      %cond3A_61 = arith.cmpi ne, %convert_element_type3A_59, %cond3A_60 : i32
      scf.if %cond3A_61 {
        %sub3A = arith.constant 1 : i32
        %sub3A_99 = arith.subi %scan3A_28, %sub3A : i32
        %jit3A_100 = arith.constant false
        %select_n3A_101 = arith.select %jit3A_100, %scan3A_28, %sub3A_99 : i32
        %jit3A_102 = arith.constant false
        %jit3A_103 = arith.constant -3 : i32
        %jit3A_104 = arith.constant 97 : i32
        %select_n3A_105 = arith.select %jit3A_102, %jit3A_103, %jit3A_104 : i32
        %mul3A_106 = arith.constant 128 : i32
        %mul3A_107 = arith.muli %select_n3A_101, %mul3A_106 : i32
        %add3A_108 = arith.addi %mul3A_2, %mul3A_107 : i32
        %dma_wait3A_109 = arith.constant 0 : i32
        %dma_wait3A_110 = arith.constant 0 : i32
        %dma_wait3A_111 = arith.constant 0 : i32
        %dma_wait3A_112 = tpu.memref_slice %arg7[%dma_wait3A_109, %dma_wait3A_110, %dma_wait3A_111] : memref<3x32x128xf32, #tpu.memory_space<vmem>> -> memref<1x32x128xf32, #tpu.memory_space<vmem>>
        %dma_wait3A_113 = tpu.memref_squeeze %dma_wait3A_112 : memref<1x32x128xf32, #tpu.memory_space<vmem>> -> memref<32x128xf32, #tpu.memory_space<vmem>>
        %dma_wait3A_114 = arith.constant 0 : i32
        %dma_wait3A_115 = tpu.memref_slice %arg4[%select_n3A_105, %dma_wait3A_114, %add3A_108] : memref<100x32x16384xf32, #tpu.memory_space<hbm>> -> memref<1x32x128xf32, #tpu.memory_space<hbm>>
        %dma_wait3A_116 = tpu.memref_squeeze %dma_wait3A_115 : memref<1x32x128xf32, #tpu.memory_space<hbm>> -> memref<32x128xf32, #tpu.memory_space<hbm>>
        %dma_wait3A_117 = arith.constant 0 : i32
        %dma_wait3A_118 = tpu.memref_slice %arg4[%select_n3A_105, %dma_wait3A_117, %add3A_108] : memref<100x32x16384xf32, #tpu.memory_space<hbm>> -> memref<1x32x128xf32, #tpu.memory_space<hbm>>
        %dma_wait3A_119 = tpu.memref_squeeze %dma_wait3A_118 : memref<1x32x128xf32, #tpu.memory_space<hbm>> -> memref<32x128xf32, #tpu.memory_space<hbm>>
        %dma_wait3A_120 = arith.constant 0 : i32
        %dma_wait3A_121 = arith.constant 0 : i32
        %dma_wait3A_122 = tpu.memref_slice %arg7[%dma_wait3A_109, %dma_wait3A_120, %dma_wait3A_121] : memref<3x32x128xf32, #tpu.memory_space<vmem>> -> memref<1x32x128xf32, #tpu.memory_space<vmem>>
        %dma_wait3A_123 = tpu.memref_squeeze %dma_wait3A_122 : memref<1x32x128xf32, #tpu.memory_space<vmem>> -> memref<32x128xf32, #tpu.memory_space<vmem>>
        tpu.wait_dma2 semaphore(%arg10 : memref<!tpu.dma_semaphore, #tpu.memory_space<semaphore_mem>>) src(%dma_wait3A_123 : memref<32x128xf32, #tpu.memory_space<vmem>>) dst(%dma_wait3A_119 : memref<32x128xf32, #tpu.memory_space<hbm>>)
      } else {
      }
      %dma_start3A_62 = arith.constant 0 : i32
      %dma_start3A_63 = arith.constant 0 : i32
      %dma_start3A_64 = arith.constant 0 : i32
      %dma_start3A_65 = arith.constant 0 : i32
      %dma_start3A_66 = tpu.memref_slice %arg6[%dma_start3A_63, %dma_start3A_64, %dma_start3A_65] : memref<3x128x128xf32, #tpu.memory_space<vmem>> -> memref<1x128x128xf32, #tpu.memory_space<vmem>>
      %dma_start3A_67 = tpu.memref_squeeze %dma_start3A_66 : memref<1x128x128xf32, #tpu.memory_space<vmem>> -> memref<128x128xf32, #tpu.memory_space<vmem>>
      %dma_start3A_68 = arith.constant 0 : i32
      %dma_start3A_69 = tpu.memref_slice %arg5[%select_n3A_37, %dma_start3A_62, %dma_start3A_68] : memref<2x100x128xi32, #tpu.memory_space<vmem>> -> memref<1x1x128xi32, #tpu.memory_space<vmem>>
      %dma_start3A_70 = tpu.memref_squeeze %dma_start3A_69 : memref<1x1x128xi32, #tpu.memory_space<vmem>> -> memref<128xi32, #tpu.memory_space<vmem>>
      %dma_start3A_71 = arith.constant 0 : i32
      %dma_start3A_72 = arith.constant 0 : i32
      %dma_start3A_73 = tpu.memref_slice %arg3[%dma_start3A_71, %dma_start3A_72] : memref<1000000x128xf32, #tpu.memory_space<hbm>> -> memref<1000000x128xf32, #tpu.memory_space<hbm>>
      tpu.enqueue_indirect_dma source(%dma_start3A_73 : memref<1000000x128xf32, #tpu.memory_space<hbm>>) target(%dma_start3A_67 : memref<128x128xf32, #tpu.memory_space<vmem>>) offsets(%dma_start3A_70 : memref<128xi32, #tpu.memory_space<vmem>>) semaphore(%arg9 : memref<!tpu.dma_semaphore, #tpu.memory_space<semaphore_mem>>)
      %gt3A_74 = arith.constant 0 : i32
      %gt3A_75 = arith.cmpi sgt, %scan3A_28, %gt3A_74 : i32
      %or3A_76 = arith.constant false
      %or3A_77 = arith.ori %gt3A_75, %or3A_76 : i1
      %convert_element_type3A_78 = arith.extui %or3A_77 : i1 to i32
      %cond3A_79 = arith.constant 0 : i32
      %cond3A_80 = arith.cmpi ne, %convert_element_type3A_78, %cond3A_79 : i32
      scf.if %cond3A_80 {
        %sub3A = arith.constant 1 : i32
        %sub3A_99 = arith.subi %scan3A_28, %sub3A : i32
        %jit3A_100 = arith.constant false
        %select_n3A_101 = arith.select %jit3A_100, %scan3A_28, %sub3A_99 : i32
        %jit3A_102 = arith.constant false
        %jit3A_103 = arith.constant -2 : i32
        %jit3A_104 = arith.constant 98 : i32
        %select_n3A_105 = arith.select %jit3A_102, %jit3A_103, %jit3A_104 : i32
        %mul3A_106 = arith.constant 128 : i32
        %mul3A_107 = arith.muli %select_n3A_101, %mul3A_106 : i32
        %add3A_108 = arith.addi %mul3A_2, %mul3A_107 : i32
        %dma_wait3A_109 = arith.constant 1 : i32
        %dma_wait3A_110 = arith.constant 0 : i32
        %dma_wait3A_111 = arith.constant 0 : i32
        %dma_wait3A_112 = tpu.memref_slice %arg7[%dma_wait3A_109, %dma_wait3A_110, %dma_wait3A_111] : memref<3x32x128xf32, #tpu.memory_space<vmem>> -> memref<1x32x128xf32, #tpu.memory_space<vmem>>
        %dma_wait3A_113 = tpu.memref_squeeze %dma_wait3A_112 : memref<1x32x128xf32, #tpu.memory_space<vmem>> -> memref<32x128xf32, #tpu.memory_space<vmem>>
        %dma_wait3A_114 = arith.constant 0 : i32
        %dma_wait3A_115 = tpu.memref_slice %arg4[%select_n3A_105, %dma_wait3A_114, %add3A_108] : memref<100x32x16384xf32, #tpu.memory_space<hbm>> -> memref<1x32x128xf32, #tpu.memory_space<hbm>>
        %dma_wait3A_116 = tpu.memref_squeeze %dma_wait3A_115 : memref<1x32x128xf32, #tpu.memory_space<hbm>> -> memref<32x128xf32, #tpu.memory_space<hbm>>
        %dma_wait3A_117 = arith.constant 0 : i32
        %dma_wait3A_118 = tpu.memref_slice %arg4[%select_n3A_105, %dma_wait3A_117, %add3A_108] : memref<100x32x16384xf32, #tpu.memory_space<hbm>> -> memref<1x32x128xf32, #tpu.memory_space<hbm>>
        %dma_wait3A_119 = tpu.memref_squeeze %dma_wait3A_118 : memref<1x32x128xf32, #tpu.memory_space<hbm>> -> memref<32x128xf32, #tpu.memory_space<hbm>>
        %dma_wait3A_120 = arith.constant 0 : i32
        %dma_wait3A_121 = arith.constant 0 : i32
        %dma_wait3A_122 = tpu.memref_slice %arg7[%dma_wait3A_109, %dma_wait3A_120, %dma_wait3A_121] : memref<3x32x128xf32, #tpu.memory_space<vmem>> -> memref<1x32x128xf32, #tpu.memory_space<vmem>>
        %dma_wait3A_123 = tpu.memref_squeeze %dma_wait3A_122 : memref<1x32x128xf32, #tpu.memory_space<vmem>> -> memref<32x128xf32, #tpu.memory_space<vmem>>
        tpu.wait_dma2 semaphore(%arg10 : memref<!tpu.dma_semaphore, #tpu.memory_space<semaphore_mem>>) src(%dma_wait3A_123 : memref<32x128xf32, #tpu.memory_space<vmem>>) dst(%dma_wait3A_119 : memref<32x128xf32, #tpu.memory_space<hbm>>)
      } else {
      }
      %dma_start3A_81 = arith.constant 1 : i32
      %dma_start3A_82 = arith.constant 1 : i32
      %dma_start3A_83 = arith.constant 0 : i32
      %dma_start3A_84 = arith.constant 0 : i32
      %dma_start3A_85 = tpu.memref_slice %arg6[%dma_start3A_82, %dma_start3A_83, %dma_start3A_84] : memref<3x128x128xf32, #tpu.memory_space<vmem>> -> memref<1x128x128xf32, #tpu.memory_space<vmem>>
      %dma_start3A_86 = tpu.memref_squeeze %dma_start3A_85 : memref<1x128x128xf32, #tpu.memory_space<vmem>> -> memref<128x128xf32, #tpu.memory_space<vmem>>
      %dma_start3A_87 = arith.constant 0 : i32
      %dma_start3A_88 = tpu.memref_slice %arg5[%select_n3A_37, %dma_start3A_81, %dma_start3A_87] : memref<2x100x128xi32, #tpu.memory_space<vmem>> -> memref<1x1x128xi32, #tpu.memory_space<vmem>>
      %dma_start3A_89 = tpu.memref_squeeze %dma_start3A_88 : memref<1x1x128xi32, #tpu.memory_space<vmem>> -> memref<128xi32, #tpu.memory_space<vmem>>
      %dma_start3A_90 = arith.constant 0 : i32
      %dma_start3A_91 = arith.constant 0 : i32
      %dma_start3A_92 = tpu.memref_slice %arg3[%dma_start3A_90, %dma_start3A_91] : memref<1000000x128xf32, #tpu.memory_space<hbm>> -> memref<1000000x128xf32, #tpu.memory_space<hbm>>
      tpu.enqueue_indirect_dma source(%dma_start3A_92 : memref<1000000x128xf32, #tpu.memory_space<hbm>>) target(%dma_start3A_86 : memref<128x128xf32, #tpu.memory_space<vmem>>) offsets(%dma_start3A_89 : memref<128xi32, #tpu.memory_space<vmem>>) semaphore(%arg9 : memref<!tpu.dma_semaphore, #tpu.memory_space<semaphore_mem>>)
      %scan3A_93 = arith.constant 0 : i32
      %scan3A_94 = arith.constant 0 : i32
      %scan3A_95 = arith.constant 100 : i32
      %scan3A_96 = arith.addi %scan3A_94, %scan3A_95 : i32
      %scan3A_97 = arith.constant 1 : i32
      scf.for %scan3A_99 = %scan3A_94 to %scan3A_96 step %scan3A_97  : i32 {
        %jit3A_100 = arith.constant 3 : i32
        %eq3A_101 = arith.constant 0 : i32
        %eq3A_102 = arith.cmpi eq, %jit3A_100, %eq3A_101 : i32
        %jit3A_103 = arith.constant 1 : i32
        %select_n3A_104 = arith.select %eq3A_102, %jit3A_103, %jit3A_100 : i32
        %rem3A_105 = arith.remsi %scan3A_99, %select_n3A_104 : i32
        %ne3A_106 = arith.constant 0 : i32
        %ne3A_107 = arith.cmpi ne, %rem3A_105, %ne3A_106 : i32
        %lt3A_108 = arith.constant 0 : i32
        %lt3A_109 = arith.cmpi slt, %rem3A_105, %lt3A_108 : i32
        %lt3A_110 = arith.constant 0 : i32
        %lt3A_111 = arith.cmpi slt, %select_n3A_104, %lt3A_110 : i32
        %ne3A_112 = arith.xori %lt3A_109, %lt3A_111 : i1
        %and3A_113 = arith.andi %ne3A_112, %ne3A_107 : i1
        %add3A_114 = arith.addi %rem3A_105, %select_n3A_104 : i32
        %select_n3A_115 = arith.select %and3A_113, %add3A_114, %rem3A_105 : i32
        %add3A_116 = arith.constant 2 : i32
        %add3A_117 = arith.addi %scan3A_99, %add3A_116 : i32
        %lt3A_118 = arith.constant 100 : i32
        %lt3A_119 = arith.cmpi slt, %add3A_117, %lt3A_118 : i32
        %convert_element_type3A_120 = arith.extui %lt3A_119 : i1 to i32
        %cond3A_121 = arith.constant 0 : i32
        %cond3A_122 = arith.cmpi ne, %convert_element_type3A_120, %cond3A_121 : i32
        scf.if %cond3A_122 {
          %add3A_156 = arith.constant 2 : i32
          %add3A_157 = arith.addi %scan3A_99, %add3A_156 : i32
          %sub3A = arith.constant 3 : i32
          %sub3A_158 = arith.subi %add3A_157, %sub3A : i32
          %gt3A_159 = arith.constant 0 : i32
          %gt3A_160 = arith.cmpi sgt, %scan3A_28, %gt3A_159 : i32
          %ge3A = arith.constant 0 : i32
          %ge3A_161 = arith.cmpi sge, %sub3A_158, %ge3A : i32
          %or3A_162 = arith.ori %gt3A_160, %ge3A_161 : i1
          %convert_element_type3A_163 = arith.extui %or3A_162 : i1 to i32
          %cond3A_164 = arith.constant 0 : i32
          %cond3A_165 = arith.cmpi ne, %convert_element_type3A_163, %cond3A_164 : i32
          scf.if %cond3A_165 {
            %ge3A_196 = arith.constant 0 : i32
            %ge3A_197 = arith.cmpi sge, %sub3A_158, %ge3A_196 : i32
            %sub3A_198 = arith.constant 1 : i32
            %sub3A_199 = arith.subi %scan3A_28, %sub3A_198 : i32
            %select_n3A_200 = arith.select %ge3A_197, %scan3A_28, %sub3A_199 : i32
            %ge3A_201 = arith.constant 0 : i32
            %ge3A_202 = arith.cmpi sge, %sub3A_158, %ge3A_201 : i32
            %add3A_203 = arith.constant 100 : i32
            %add3A_204 = arith.addi %add3A_203, %sub3A_158 : i32
            %select_n3A_205 = arith.select %ge3A_202, %sub3A_158, %add3A_204 : i32
            %jit3A_206 = arith.constant 3 : i32
            %eq3A_207 = arith.constant 0 : i32
            %eq3A_208 = arith.cmpi eq, %jit3A_206, %eq3A_207 : i32
            %jit3A_209 = arith.constant 1 : i32
            %select_n3A_210 = arith.select %eq3A_208, %jit3A_209, %jit3A_206 : i32
            %rem3A_211 = arith.remsi %sub3A_158, %select_n3A_210 : i32
            %ne3A_212 = arith.constant 0 : i32
            %ne3A_213 = arith.cmpi ne, %rem3A_211, %ne3A_212 : i32
            %lt3A_214 = arith.constant 0 : i32
            %lt3A_215 = arith.cmpi slt, %rem3A_211, %lt3A_214 : i32
            %lt3A_216 = arith.constant 0 : i32
            %lt3A_217 = arith.cmpi slt, %select_n3A_210, %lt3A_216 : i32
            %ne3A_218 = arith.xori %lt3A_215, %lt3A_217 : i1
            %and3A_219 = arith.andi %ne3A_218, %ne3A_213 : i1
            %add3A_220 = arith.addi %rem3A_211, %select_n3A_210 : i32
            %select_n3A_221 = arith.select %and3A_219, %add3A_220, %rem3A_211 : i32
            %mul3A_222 = arith.constant 128 : i32
            %mul3A_223 = arith.muli %select_n3A_200, %mul3A_222 : i32
            %add3A_224 = arith.addi %mul3A_2, %mul3A_223 : i32
            %dma_wait3A_225 = arith.constant 0 : i32
            %dma_wait3A_226 = arith.constant 0 : i32
            %dma_wait3A_227 = tpu.memref_slice %arg7[%select_n3A_221, %dma_wait3A_225, %dma_wait3A_226] : memref<3x32x128xf32, #tpu.memory_space<vmem>> -> memref<1x32x128xf32, #tpu.memory_space<vmem>>
            %dma_wait3A_228 = tpu.memref_squeeze %dma_wait3A_227 : memref<1x32x128xf32, #tpu.memory_space<vmem>> -> memref<32x128xf32, #tpu.memory_space<vmem>>
            %dma_wait3A_229 = arith.constant 0 : i32
            %dma_wait3A_230 = tpu.memref_slice %arg4[%select_n3A_205, %dma_wait3A_229, %add3A_224] : memref<100x32x16384xf32, #tpu.memory_space<hbm>> -> memref<1x32x128xf32, #tpu.memory_space<hbm>>
            %dma_wait3A_231 = tpu.memref_squeeze %dma_wait3A_230 : memref<1x32x128xf32, #tpu.memory_space<hbm>> -> memref<32x128xf32, #tpu.memory_space<hbm>>
            %dma_wait3A_232 = arith.constant 0 : i32
            %dma_wait3A_233 = tpu.memref_slice %arg4[%select_n3A_205, %dma_wait3A_232, %add3A_224] : memref<100x32x16384xf32, #tpu.memory_space<hbm>> -> memref<1x32x128xf32, #tpu.memory_space<hbm>>
            %dma_wait3A_234 = tpu.memref_squeeze %dma_wait3A_233 : memref<1x32x128xf32, #tpu.memory_space<hbm>> -> memref<32x128xf32, #tpu.memory_space<hbm>>
            %dma_wait3A_235 = arith.constant 0 : i32
            %dma_wait3A_236 = arith.constant 0 : i32
            %dma_wait3A_237 = tpu.memref_slice %arg7[%select_n3A_221, %dma_wait3A_235, %dma_wait3A_236] : memref<3x32x128xf32, #tpu.memory_space<vmem>> -> memref<1x32x128xf32, #tpu.memory_space<vmem>>
            %dma_wait3A_238 = tpu.memref_squeeze %dma_wait3A_237 : memref<1x32x128xf32, #tpu.memory_space<vmem>> -> memref<32x128xf32, #tpu.memory_space<vmem>>
            tpu.wait_dma2 semaphore(%arg10 : memref<!tpu.dma_semaphore, #tpu.memory_space<semaphore_mem>>) src(%dma_wait3A_238 : memref<32x128xf32, #tpu.memory_space<vmem>>) dst(%dma_wait3A_234 : memref<32x128xf32, #tpu.memory_space<hbm>>)
          } else {
          }
          %add3A_166 = arith.constant 2 : i32
          %add3A_167 = arith.addi %scan3A_99, %add3A_166 : i32
          %add3A_168 = arith.constant 2 : i32
          %add3A_169 = arith.addi %scan3A_99, %add3A_168 : i32
          %jit3A_170 = arith.constant 3 : i32
          %eq3A_171 = arith.constant 0 : i32
          %eq3A_172 = arith.cmpi eq, %jit3A_170, %eq3A_171 : i32
          %jit3A_173 = arith.constant 1 : i32
          %select_n3A_174 = arith.select %eq3A_172, %jit3A_173, %jit3A_170 : i32
          %rem3A_175 = arith.remsi %add3A_169, %select_n3A_174 : i32
          %ne3A_176 = arith.constant 0 : i32
          %ne3A_177 = arith.cmpi ne, %rem3A_175, %ne3A_176 : i32
          %lt3A_178 = arith.constant 0 : i32
          %lt3A_179 = arith.cmpi slt, %rem3A_175, %lt3A_178 : i32
          %lt3A_180 = arith.constant 0 : i32
          %lt3A_181 = arith.cmpi slt, %select_n3A_174, %lt3A_180 : i32
          %ne3A_182 = arith.xori %lt3A_179, %lt3A_181 : i1
          %and3A_183 = arith.andi %ne3A_182, %ne3A_177 : i1
          %add3A_184 = arith.addi %rem3A_175, %select_n3A_174 : i32
          %select_n3A_185 = arith.select %and3A_183, %add3A_184, %rem3A_175 : i32
          %dma_start3A_186 = arith.constant 0 : i32
          %dma_start3A_187 = arith.constant 0 : i32
          %dma_start3A_188 = tpu.memref_slice %arg6[%select_n3A_185, %dma_start3A_186, %dma_start3A_187] : memref<3x128x128xf32, #tpu.memory_space<vmem>> -> memref<1x128x128xf32, #tpu.memory_space<vmem>>
          %dma_start3A_189 = tpu.memref_squeeze %dma_start3A_188 : memref<1x128x128xf32, #tpu.memory_space<vmem>> -> memref<128x128xf32, #tpu.memory_space<vmem>>
          %dma_start3A_190 = arith.constant 0 : i32
          %dma_start3A_191 = tpu.memref_slice %arg5[%select_n3A_37, %add3A_167, %dma_start3A_190] : memref<2x100x128xi32, #tpu.memory_space<vmem>> -> memref<1x1x128xi32, #tpu.memory_space<vmem>>
          %dma_start3A_192 = tpu.memref_squeeze %dma_start3A_191 : memref<1x1x128xi32, #tpu.memory_space<vmem>> -> memref<128xi32, #tpu.memory_space<vmem>>
          %dma_start3A_193 = arith.constant 0 : i32
          %dma_start3A_194 = arith.constant 0 : i32
          %dma_start3A_195 = tpu.memref_slice %arg3[%dma_start3A_193, %dma_start3A_194] : memref<1000000x128xf32, #tpu.memory_space<hbm>> -> memref<1000000x128xf32, #tpu.memory_space<hbm>>
          tpu.enqueue_indirect_dma source(%dma_start3A_195 : memref<1000000x128xf32, #tpu.memory_space<hbm>>) target(%dma_start3A_189 : memref<128x128xf32, #tpu.memory_space<vmem>>) offsets(%dma_start3A_192 : memref<128xi32, #tpu.memory_space<vmem>>) semaphore(%arg9 : memref<!tpu.dma_semaphore, #tpu.memory_space<semaphore_mem>>)
        } else {
        }
        %dma_wait3A_123 = arith.constant 0 : i32
        %dma_wait3A_124 = arith.constant 0 : i32
        %dma_wait3A_125 = tpu.memref_slice %arg6[%select_n3A_115, %dma_wait3A_123, %dma_wait3A_124] : memref<3x128x128xf32, #tpu.memory_space<vmem>> -> memref<1x128x128xf32, #tpu.memory_space<vmem>>
        %dma_wait3A_126 = tpu.memref_squeeze %dma_wait3A_125 : memref<1x128x128xf32, #tpu.memory_space<vmem>> -> memref<128x128xf32, #tpu.memory_space<vmem>>
        %dma_wait3A_127 = arith.constant 0 : i32
        %dma_wait3A_128 = tpu.memref_slice %arg5[%select_n3A_37, %scan3A_99, %dma_wait3A_127] : memref<2x100x128xi32, #tpu.memory_space<vmem>> -> memref<1x1x128xi32, #tpu.memory_space<vmem>>
        %dma_wait3A_129 = tpu.memref_squeeze %dma_wait3A_128 : memref<1x1x128xi32, #tpu.memory_space<vmem>> -> memref<128xi32, #tpu.memory_space<vmem>>
        %dma_wait3A_130 = arith.constant 0 : i32
        %dma_wait3A_131 = arith.constant 0 : i32
        %dma_wait3A_132 = tpu.memref_slice %arg3[%dma_wait3A_130, %dma_wait3A_131] : memref<1000000x128xf32, #tpu.memory_space<hbm>> -> memref<1000000x128xf32, #tpu.memory_space<hbm>>
        tpu.wait_indirect_dma semaphore(%arg9 : memref<!tpu.dma_semaphore, #tpu.memory_space<semaphore_mem>>) src(%dma_wait3A_132 : memref<1000000x128xf32, #tpu.memory_space<hbm>>) dst(%dma_wait3A_126 : memref<128x128xf32, #tpu.memory_space<vmem>>)
        %scan3A_133 = arith.constant 0 : i32
        %scan3A_134 = arith.constant 0 : i32
        %scan3A_135 = arith.constant 16 : i32
        %scan3A_136 = arith.addi %scan3A_134, %scan3A_135 : i32
        %scan3A_137 = arith.constant 1 : i32
        scf.for %scan3A_156 = %scan3A_134 to %scan3A_136 step %scan3A_137  : i32 {
          %add3A_157 = vector.broadcast %scan3A_156 : i32 to vector<16xi32>
          %add3A_158 = arith.addi %iota3A, %add3A_157 : vector<16xi32>
          %and3A_159 = arith.constant 15 : i32
          %and3A_160 = vector.broadcast %and3A_159 : i32 to vector<16xi32>
          %and3A_161 = arith.andi %add3A_158, %and3A_160 : vector<16xi32>
          %add3A_162 = arith.constant 0 : i32
          %add3A_163 = vector.broadcast %add3A_162 : i32 to vector<16xi32>
          %add3A_164 = arith.addi %iota3A, %add3A_163 : vector<16xi32>
          %add3A_165 = arith.constant 0 : i32
          %add3A_166 = vector.broadcast %add3A_165 : i32 to vector<16xi32>
          %add3A_167 = arith.addi %and3A_161, %add3A_166 : vector<16xi32>
          %gather3A = arith.constant 0 : i32
          %gather3A_168 = arith.constant 0 : i32
          %gather3A_169 = tpu.memref_slice %arg6[%select_n3A_115, %gather3A, %gather3A_168] : memref<3x128x128xf32, #tpu.memory_space<vmem>> -> memref<1x128x128xf32, #tpu.memory_space<vmem>>
          %gather3A_170 = tpu.memref_squeeze %gather3A_169 : memref<1x128x128xf32, #tpu.memory_space<vmem>> -> memref<128x128xf32, #tpu.memory_space<vmem>>
          %gather3A_171 = tpu.vector_load_idx %gather3A_170[%add3A_164, %add3A_167] : memref<128x128xf32, #tpu.memory_space<vmem>>[vector<16xi32>, vector<16xi32>], vector<16xf32>,
          %scatter3A = arith.constant 0 : i32
          %scatter3A_172 = arith.constant 0 : i32
          %scatter3A_173 = tpu.memref_slice %arg7[%select_n3A_115, %scatter3A, %scatter3A_172] : memref<3x32x128xf32, #tpu.memory_space<vmem>> -> memref<1x32x128xf32, #tpu.memory_space<vmem>>
          %scatter3A_174 = tpu.memref_squeeze %scatter3A_173 : memref<1x32x128xf32, #tpu.memory_space<vmem>> -> memref<32x128xf32, #tpu.memory_space<vmem>>
          tpu.vector_store_idx %scatter3A_174[%add3A_167, %add3A_164], %gather3A_171 : memref<32x128xf32, #tpu.memory_space<vmem>>[vector<16xi32>, vector<16xi32>], vector<16xf32>,
          %add3A_175 = arith.constant 16 : i32
          %add3A_176 = vector.broadcast %add3A_175 : i32 to vector<16xi32>
          %add3A_177 = arith.addi %and3A_161, %add3A_176 : vector<16xi32>
          %gather3A_178 = arith.constant 0 : i32
          %gather3A_179 = arith.constant 0 : i32
          %gather3A_180 = tpu.memref_slice %arg6[%select_n3A_115, %gather3A_178, %gather3A_179] : memref<3x128x128xf32, #tpu.memory_space<vmem>> -> memref<1x128x128xf32, #tpu.memory_space<vmem>>
          %gather3A_181 = tpu.memref_squeeze %gather3A_180 : memref<1x128x128xf32, #tpu.memory_space<vmem>> -> memref<128x128xf32, #tpu.memory_space<vmem>>
          %gather3A_182 = tpu.vector_load_idx %gather3A_181[%add3A_164, %add3A_177] : memref<128x128xf32, #tpu.memory_space<vmem>>[vector<16xi32>, vector<16xi32>], vector<16xf32>,
          %scatter3A_183 = arith.constant 0 : i32
          %scatter3A_184 = arith.constant 0 : i32
          %scatter3A_185 = tpu.memref_slice %arg7[%select_n3A_115, %scatter3A_183, %scatter3A_184] : memref<3x32x128xf32, #tpu.memory_space<vmem>> -> memref<1x32x128xf32, #tpu.memory_space<vmem>>
          %scatter3A_186 = tpu.memref_squeeze %scatter3A_185 : memref<1x32x128xf32, #tpu.memory_space<vmem>> -> memref<32x128xf32, #tpu.memory_space<vmem>>
          tpu.vector_store_idx %scatter3A_186[%add3A_177, %add3A_164], %gather3A_182 : memref<32x128xf32, #tpu.memory_space<vmem>>[vector<16xi32>, vector<16xi32>], vector<16xf32>,
          %add3A_187 = arith.constant 16 : i32
          %add3A_188 = vector.broadcast %add3A_187 : i32 to vector<16xi32>
          %add3A_189 = arith.addi %iota3A, %add3A_188 : vector<16xi32>
          %add3A_190 = arith.constant 0 : i32
          %add3A_191 = vector.broadcast %add3A_190 : i32 to vector<16xi32>
          %add3A_192 = arith.addi %and3A_161, %add3A_191 : vector<16xi32>
          %gather3A_193 = arith.constant 0 : i32
          %gather3A_194 = arith.constant 0 : i32
          %gather3A_195 = tpu.memref_slice %arg6[%select_n3A_115, %gather3A_193, %gather3A_194] : memref<3x128x128xf32, #tpu.memory_space<vmem>> -> memref<1x128x128xf32, #tpu.memory_space<vmem>>
          %gather3A_196 = tpu.memref_squeeze %gather3A_195 : memref<1x128x128xf32, #tpu.memory_space<vmem>> -> memref<128x128xf32, #tpu.memory_space<vmem>>
          %gather3A_197 = tpu.vector_load_idx %gather3A_196[%add3A_189, %add3A_192] : memref<128x128xf32, #tpu.memory_space<vmem>>[vector<16xi32>, vector<16xi32>], vector<16xf32>,
          %scatter3A_198 = arith.constant 0 : i32
          %scatter3A_199 = arith.constant 0 : i32
          %scatter3A_200 = tpu.memref_slice %arg7[%select_n3A_115, %scatter3A_198, %scatter3A_199] : memref<3x32x128xf32, #tpu.memory_space<vmem>> -> memref<1x32x128xf32, #tpu.memory_space<vmem>>
          %scatter3A_201 = tpu.memref_squeeze %scatter3A_200 : memref<1x32x128xf32, #tpu.memory_space<vmem>> -> memref<32x128xf32, #tpu.memory_space<vmem>>
          tpu.vector_store_idx %scatter3A_201[%add3A_192, %add3A_189], %gather3A_197 : memref<32x128xf32, #tpu.memory_space<vmem>>[vector<16xi32>, vector<16xi32>], vector<16xf32>,
          %add3A_202 = arith.constant 16 : i32
          %add3A_203 = vector.broadcast %add3A_202 : i32 to vector<16xi32>
          %add3A_204 = arith.addi %and3A_161, %add3A_203 : vector<16xi32>
          %gather3A_205 = arith.constant 0 : i32
          %gather3A_206 = arith.constant 0 : i32
          %gather3A_207 = tpu.memref_slice %arg6[%select_n3A_115, %gather3A_205, %gather3A_206] : memref<3x128x128xf32, #tpu.memory_space<vmem>> -> memref<1x128x128xf32, #tpu.memory_space<vmem>>
          %gather3A_208 = tpu.memref_squeeze %gather3A_207 : memref<1x128x128xf32, #tpu.memory_space<vmem>> -> memref<128x128xf32, #tpu.memory_space<vmem>>
          %gather3A_209 = tpu.vector_load_idx %gather3A_208[%add3A_189, %add3A_204] : memref<128x128xf32, #tpu.memory_space<vmem>>[vector<16xi32>, vector<16xi32>], vector<16xf32>,
          %scatter3A_210 = arith.constant 0 : i32
          %scatter3A_211 = arith.constant 0 : i32
          %scatter3A_212 = tpu.memref_slice %arg7[%select_n3A_115, %scatter3A_210, %scatter3A_211] : memref<3x32x128xf32, #tpu.memory_space<vmem>> -> memref<1x32x128xf32, #tpu.memory_space<vmem>>
          %scatter3A_213 = tpu.memref_squeeze %scatter3A_212 : memref<1x32x128xf32, #tpu.memory_space<vmem>> -> memref<32x128xf32, #tpu.memory_space<vmem>>
          tpu.vector_store_idx %scatter3A_213[%add3A_204, %add3A_189], %gather3A_209 : memref<32x128xf32, #tpu.memory_space<vmem>>[vector<16xi32>, vector<16xi32>], vector<16xf32>,
          %add3A_214 = arith.constant 32 : i32
          %add3A_215 = vector.broadcast %add3A_214 : i32 to vector<16xi32>
          %add3A_216 = arith.addi %iota3A, %add3A_215 : vector<16xi32>
          %add3A_217 = arith.constant 0 : i32
          %add3A_218 = vector.broadcast %add3A_217 : i32 to vector<16xi32>
          %add3A_219 = arith.addi %and3A_161, %add3A_218 : vector<16xi32>
          %gather3A_220 = arith.constant 0 : i32
          %gather3A_221 = arith.constant 0 : i32
          %gather3A_222 = tpu.memref_slice %arg6[%select_n3A_115, %gather3A_220, %gather3A_221] : memref<3x128x128xf32, #tpu.memory_space<vmem>> -> memref<1x128x128xf32, #tpu.memory_space<vmem>>
          %gather3A_223 = tpu.memref_squeeze %gather3A_222 : memref<1x128x128xf32, #tpu.memory_space<vmem>> -> memref<128x128xf32, #tpu.memory_space<vmem>>
          %gather3A_224 = tpu.vector_load_idx %gather3A_223[%add3A_216, %add3A_219] : memref<128x128xf32, #tpu.memory_space<vmem>>[vector<16xi32>, vector<16xi32>], vector<16xf32>,
          %scatter3A_225 = arith.constant 0 : i32
          %scatter3A_226 = arith.constant 0 : i32
          %scatter3A_227 = tpu.memref_slice %arg7[%select_n3A_115, %scatter3A_225, %scatter3A_226] : memref<3x32x128xf32, #tpu.memory_space<vmem>> -> memref<1x32x128xf32, #tpu.memory_space<vmem>>
          %scatter3A_228 = tpu.memref_squeeze %scatter3A_227 : memref<1x32x128xf32, #tpu.memory_space<vmem>> -> memref<32x128xf32, #tpu.memory_space<vmem>>
          tpu.vector_store_idx %scatter3A_228[%add3A_219, %add3A_216], %gather3A_224 : memref<32x128xf32, #tpu.memory_space<vmem>>[vector<16xi32>, vector<16xi32>], vector<16xf32>,
          %add3A_229 = arith.constant 16 : i32
          %add3A_230 = vector.broadcast %add3A_229 : i32 to vector<16xi32>
          %add3A_231 = arith.addi %and3A_161, %add3A_230 : vector<16xi32>
          %gather3A_232 = arith.constant 0 : i32
          %gather3A_233 = arith.constant 0 : i32
          %gather3A_234 = tpu.memref_slice %arg6[%select_n3A_115, %gather3A_232, %gather3A_233] : memref<3x128x128xf32, #tpu.memory_space<vmem>> -> memref<1x128x128xf32, #tpu.memory_space<vmem>>
          %gather3A_235 = tpu.memref_squeeze %gather3A_234 : memref<1x128x128xf32, #tpu.memory_space<vmem>> -> memref<128x128xf32, #tpu.memory_space<vmem>>
          %gather3A_236 = tpu.vector_load_idx %gather3A_235[%add3A_216, %add3A_231] : memref<128x128xf32, #tpu.memory_space<vmem>>[vector<16xi32>, vector<16xi32>], vector<16xf32>,
          %scatter3A_237 = arith.constant 0 : i32
          %scatter3A_238 = arith.constant 0 : i32
          %scatter3A_239 = tpu.memref_slice %arg7[%select_n3A_115, %scatter3A_237, %scatter3A_238] : memref<3x32x128xf32, #tpu.memory_space<vmem>> -> memref<1x32x128xf32, #tpu.memory_space<vmem>>
          %scatter3A_240 = tpu.memref_squeeze %scatter3A_239 : memref<1x32x128xf32, #tpu.memory_space<vmem>> -> memref<32x128xf32, #tpu.memory_space<vmem>>
          tpu.vector_store_idx %scatter3A_240[%add3A_231, %add3A_216], %gather3A_236 : memref<32x128xf32, #tpu.memory_space<vmem>>[vector<16xi32>, vector<16xi32>], vector<16xf32>,
          %add3A_241 = arith.constant 48 : i32
          %add3A_242 = vector.broadcast %add3A_241 : i32 to vector<16xi32>
          %add3A_243 = arith.addi %iota3A, %add3A_242 : vector<16xi32>
          %add3A_244 = arith.constant 0 : i32
          %add3A_245 = vector.broadcast %add3A_244 : i32 to vector<16xi32>
          %add3A_246 = arith.addi %and3A_161, %add3A_245 : vector<16xi32>
          %gather3A_247 = arith.constant 0 : i32
          %gather3A_248 = arith.constant 0 : i32
          %gather3A_249 = tpu.memref_slice %arg6[%select_n3A_115, %gather3A_247, %gather3A_248] : memref<3x128x128xf32, #tpu.memory_space<vmem>> -> memref<1x128x128xf32, #tpu.memory_space<vmem>>
          %gather3A_250 = tpu.memref_squeeze %gather3A_249 : memref<1x128x128xf32, #tpu.memory_space<vmem>> -> memref<128x128xf32, #tpu.memory_space<vmem>>
          %gather3A_251 = tpu.vector_load_idx %gather3A_250[%add3A_243, %add3A_246] : memref<128x128xf32, #tpu.memory_space<vmem>>[vector<16xi32>, vector<16xi32>], vector<16xf32>,
          %scatter3A_252 = arith.constant 0 : i32
          %scatter3A_253 = arith.constant 0 : i32
          %scatter3A_254 = tpu.memref_slice %arg7[%select_n3A_115, %scatter3A_252, %scatter3A_253] : memref<3x32x128xf32, #tpu.memory_space<vmem>> -> memref<1x32x128xf32, #tpu.memory_space<vmem>>
          %scatter3A_255 = tpu.memref_squeeze %scatter3A_254 : memref<1x32x128xf32, #tpu.memory_space<vmem>> -> memref<32x128xf32, #tpu.memory_space<vmem>>
          tpu.vector_store_idx %scatter3A_255[%add3A_246, %add3A_243], %gather3A_251 : memref<32x128xf32, #tpu.memory_space<vmem>>[vector<16xi32>, vector<16xi32>], vector<16xf32>,
          %add3A_256 = arith.constant 16 : i32
          %add3A_257 = vector.broadcast %add3A_256 : i32 to vector<16xi32>
          %add3A_258 = arith.addi %and3A_161, %add3A_257 : vector<16xi32>
          %gather3A_259 = arith.constant 0 : i32
          %gather3A_260 = arith.constant 0 : i32
          %gather3A_261 = tpu.memref_slice %arg6[%select_n3A_115, %gather3A_259, %gather3A_260] : memref<3x128x128xf32, #tpu.memory_space<vmem>> -> memref<1x128x128xf32, #tpu.memory_space<vmem>>
          %gather3A_262 = tpu.memref_squeeze %gather3A_261 : memref<1x128x128xf32, #tpu.memory_space<vmem>> -> memref<128x128xf32, #tpu.memory_space<vmem>>
          %gather3A_263 = tpu.vector_load_idx %gather3A_262[%add3A_243, %add3A_258] : memref<128x128xf32, #tpu.memory_space<vmem>>[vector<16xi32>, vector<16xi32>], vector<16xf32>,
          %scatter3A_264 = arith.constant 0 : i32
          %scatter3A_265 = arith.constant 0 : i32
          %scatter3A_266 = tpu.memref_slice %arg7[%select_n3A_115, %scatter3A_264, %scatter3A_265] : memref<3x32x128xf32, #tpu.memory_space<vmem>> -> memref<1x32x128xf32, #tpu.memory_space<vmem>>
          %scatter3A_267 = tpu.memref_squeeze %scatter3A_266 : memref<1x32x128xf32, #tpu.memory_space<vmem>> -> memref<32x128xf32, #tpu.memory_space<vmem>>
          tpu.vector_store_idx %scatter3A_267[%add3A_258, %add3A_243], %gather3A_263 : memref<32x128xf32, #tpu.memory_space<vmem>>[vector<16xi32>, vector<16xi32>], vector<16xf32>,
          %add3A_268 = arith.constant 64 : i32
          %add3A_269 = vector.broadcast %add3A_268 : i32 to vector<16xi32>
          %add3A_270 = arith.addi %iota3A, %add3A_269 : vector<16xi32>
          %add3A_271 = arith.constant 0 : i32
          %add3A_272 = vector.broadcast %add3A_271 : i32 to vector<16xi32>
          %add3A_273 = arith.addi %and3A_161, %add3A_272 : vector<16xi32>
          %gather3A_274 = arith.constant 0 : i32
          %gather3A_275 = arith.constant 0 : i32
          %gather3A_276 = tpu.memref_slice %arg6[%select_n3A_115, %gather3A_274, %gather3A_275] : memref<3x128x128xf32, #tpu.memory_space<vmem>> -> memref<1x128x128xf32, #tpu.memory_space<vmem>>
          %gather3A_277 = tpu.memref_squeeze %gather3A_276 : memref<1x128x128xf32, #tpu.memory_space<vmem>> -> memref<128x128xf32, #tpu.memory_space<vmem>>
          %gather3A_278 = tpu.vector_load_idx %gather3A_277[%add3A_270, %add3A_273] : memref<128x128xf32, #tpu.memory_space<vmem>>[vector<16xi32>, vector<16xi32>], vector<16xf32>,
          %scatter3A_279 = arith.constant 0 : i32
          %scatter3A_280 = arith.constant 0 : i32
          %scatter3A_281 = tpu.memref_slice %arg7[%select_n3A_115, %scatter3A_279, %scatter3A_280] : memref<3x32x128xf32, #tpu.memory_space<vmem>> -> memref<1x32x128xf32, #tpu.memory_space<vmem>>
          %scatter3A_282 = tpu.memref_squeeze %scatter3A_281 : memref<1x32x128xf32, #tpu.memory_space<vmem>> -> memref<32x128xf32, #tpu.memory_space<vmem>>
          tpu.vector_store_idx %scatter3A_282[%add3A_273, %add3A_270], %gather3A_278 : memref<32x128xf32, #tpu.memory_space<vmem>>[vector<16xi32>, vector<16xi32>], vector<16xf32>,
          %add3A_283 = arith.constant 16 : i32
          %add3A_284 = vector.broadcast %add3A_283 : i32 to vector<16xi32>
          %add3A_285 = arith.addi %and3A_161, %add3A_284 : vector<16xi32>
          %gather3A_286 = arith.constant 0 : i32
          %gather3A_287 = arith.constant 0 : i32
          %gather3A_288 = tpu.memref_slice %arg6[%select_n3A_115, %gather3A_286, %gather3A_287] : memref<3x128x128xf32, #tpu.memory_space<vmem>> -> memref<1x128x128xf32, #tpu.memory_space<vmem>>
          %gather3A_289 = tpu.memref_squeeze %gather3A_288 : memref<1x128x128xf32, #tpu.memory_space<vmem>> -> memref<128x128xf32, #tpu.memory_space<vmem>>
          %gather3A_290 = tpu.vector_load_idx %gather3A_289[%add3A_270, %add3A_285] : memref<128x128xf32, #tpu.memory_space<vmem>>[vector<16xi32>, vector<16xi32>], vector<16xf32>,
          %scatter3A_291 = arith.constant 0 : i32
          %scatter3A_292 = arith.constant 0 : i32
          %scatter3A_293 = tpu.memref_slice %arg7[%select_n3A_115, %scatter3A_291, %scatter3A_292] : memref<3x32x128xf32, #tpu.memory_space<vmem>> -> memref<1x32x128xf32, #tpu.memory_space<vmem>>
          %scatter3A_294 = tpu.memref_squeeze %scatter3A_293 : memref<1x32x128xf32, #tpu.memory_space<vmem>> -> memref<32x128xf32, #tpu.memory_space<vmem>>
          tpu.vector_store_idx %scatter3A_294[%add3A_285, %add3A_270], %gather3A_290 : memref<32x128xf32, #tpu.memory_space<vmem>>[vector<16xi32>, vector<16xi32>], vector<16xf32>,
          %add3A_295 = arith.constant 80 : i32
          %add3A_296 = vector.broadcast %add3A_295 : i32 to vector<16xi32>
          %add3A_297 = arith.addi %iota3A, %add3A_296 : vector<16xi32>
          %add3A_298 = arith.constant 0 : i32
          %add3A_299 = vector.broadcast %add3A_298 : i32 to vector<16xi32>
          %add3A_300 = arith.addi %and3A_161, %add3A_299 : vector<16xi32>
          %gather3A_301 = arith.constant 0 : i32
          %gather3A_302 = arith.constant 0 : i32
          %gather3A_303 = tpu.memref_slice %arg6[%select_n3A_115, %gather3A_301, %gather3A_302] : memref<3x128x128xf32, #tpu.memory_space<vmem>> -> memref<1x128x128xf32, #tpu.memory_space<vmem>>
          %gather3A_304 = tpu.memref_squeeze %gather3A_303 : memref<1x128x128xf32, #tpu.memory_space<vmem>> -> memref<128x128xf32, #tpu.memory_space<vmem>>
          %gather3A_305 = tpu.vector_load_idx %gather3A_304[%add3A_297, %add3A_300] : memref<128x128xf32, #tpu.memory_space<vmem>>[vector<16xi32>, vector<16xi32>], vector<16xf32>,
          %scatter3A_306 = arith.constant 0 : i32
          %scatter3A_307 = arith.constant 0 : i32
          %scatter3A_308 = tpu.memref_slice %arg7[%select_n3A_115, %scatter3A_306, %scatter3A_307] : memref<3x32x128xf32, #tpu.memory_space<vmem>> -> memref<1x32x128xf32, #tpu.memory_space<vmem>>
          %scatter3A_309 = tpu.memref_squeeze %scatter3A_308 : memref<1x32x128xf32, #tpu.memory_space<vmem>> -> memref<32x128xf32, #tpu.memory_space<vmem>>
          tpu.vector_store_idx %scatter3A_309[%add3A_300, %add3A_297], %gather3A_305 : memref<32x128xf32, #tpu.memory_space<vmem>>[vector<16xi32>, vector<16xi32>], vector<16xf32>,
          %add3A_310 = arith.constant 16 : i32
          %add3A_311 = vector.broadcast %add3A_310 : i32 to vector<16xi32>
          %add3A_312 = arith.addi %and3A_161, %add3A_311 : vector<16xi32>
          %gather3A_313 = arith.constant 0 : i32
          %gather3A_314 = arith.constant 0 : i32
          %gather3A_315 = tpu.memref_slice %arg6[%select_n3A_115, %gather3A_313, %gather3A_314] : memref<3x128x128xf32, #tpu.memory_space<vmem>> -> memref<1x128x128xf32, #tpu.memory_space<vmem>>
          %gather3A_316 = tpu.memref_squeeze %gather3A_315 : memref<1x128x128xf32, #tpu.memory_space<vmem>> -> memref<128x128xf32, #tpu.memory_space<vmem>>
          %gather3A_317 = tpu.vector_load_idx %gather3A_316[%add3A_297, %add3A_312] : memref<128x128xf32, #tpu.memory_space<vmem>>[vector<16xi32>, vector<16xi32>], vector<16xf32>,
          %scatter3A_318 = arith.constant 0 : i32
          %scatter3A_319 = arith.constant 0 : i32
          %scatter3A_320 = tpu.memref_slice %arg7[%select_n3A_115, %scatter3A_318, %scatter3A_319] : memref<3x32x128xf32, #tpu.memory_space<vmem>> -> memref<1x32x128xf32, #tpu.memory_space<vmem>>
          %scatter3A_321 = tpu.memref_squeeze %scatter3A_320 : memref<1x32x128xf32, #tpu.memory_space<vmem>> -> memref<32x128xf32, #tpu.memory_space<vmem>>
          tpu.vector_store_idx %scatter3A_321[%add3A_312, %add3A_297], %gather3A_317 : memref<32x128xf32, #tpu.memory_space<vmem>>[vector<16xi32>, vector<16xi32>], vector<16xf32>,
          %add3A_322 = arith.constant 96 : i32
          %add3A_323 = vector.broadcast %add3A_322 : i32 to vector<16xi32>
          %add3A_324 = arith.addi %iota3A, %add3A_323 : vector<16xi32>
          %add3A_325 = arith.constant 0 : i32
          %add3A_326 = vector.broadcast %add3A_325 : i32 to vector<16xi32>
          %add3A_327 = arith.addi %and3A_161, %add3A_326 : vector<16xi32>
          %gather3A_328 = arith.constant 0 : i32
          %gather3A_329 = arith.constant 0 : i32
          %gather3A_330 = tpu.memref_slice %arg6[%select_n3A_115, %gather3A_328, %gather3A_329] : memref<3x128x128xf32, #tpu.memory_space<vmem>> -> memref<1x128x128xf32, #tpu.memory_space<vmem>>
          %gather3A_331 = tpu.memref_squeeze %gather3A_330 : memref<1x128x128xf32, #tpu.memory_space<vmem>> -> memref<128x128xf32, #tpu.memory_space<vmem>>
          %gather3A_332 = tpu.vector_load_idx %gather3A_331[%add3A_324, %add3A_327] : memref<128x128xf32, #tpu.memory_space<vmem>>[vector<16xi32>, vector<16xi32>], vector<16xf32>,
          %scatter3A_333 = arith.constant 0 : i32
          %scatter3A_334 = arith.constant 0 : i32
          %scatter3A_335 = tpu.memref_slice %arg7[%select_n3A_115, %scatter3A_333, %scatter3A_334] : memref<3x32x128xf32, #tpu.memory_space<vmem>> -> memref<1x32x128xf32, #tpu.memory_space<vmem>>
          %scatter3A_336 = tpu.memref_squeeze %scatter3A_335 : memref<1x32x128xf32, #tpu.memory_space<vmem>> -> memref<32x128xf32, #tpu.memory_space<vmem>>
          tpu.vector_store_idx %scatter3A_336[%add3A_327, %add3A_324], %gather3A_332 : memref<32x128xf32, #tpu.memory_space<vmem>>[vector<16xi32>, vector<16xi32>], vector<16xf32>,
          %add3A_337 = arith.constant 16 : i32
          %add3A_338 = vector.broadcast %add3A_337 : i32 to vector<16xi32>
          %add3A_339 = arith.addi %and3A_161, %add3A_338 : vector<16xi32>
          %gather3A_340 = arith.constant 0 : i32
          %gather3A_341 = arith.constant 0 : i32
          %gather3A_342 = tpu.memref_slice %arg6[%select_n3A_115, %gather3A_340, %gather3A_341] : memref<3x128x128xf32, #tpu.memory_space<vmem>> -> memref<1x128x128xf32, #tpu.memory_space<vmem>>
          %gather3A_343 = tpu.memref_squeeze %gather3A_342 : memref<1x128x128xf32, #tpu.memory_space<vmem>> -> memref<128x128xf32, #tpu.memory_space<vmem>>
          %gather3A_344 = tpu.vector_load_idx %gather3A_343[%add3A_324, %add3A_339] : memref<128x128xf32, #tpu.memory_space<vmem>>[vector<16xi32>, vector<16xi32>], vector<16xf32>,
          %scatter3A_345 = arith.constant 0 : i32
          %scatter3A_346 = arith.constant 0 : i32
          %scatter3A_347 = tpu.memref_slice %arg7[%select_n3A_115, %scatter3A_345, %scatter3A_346] : memref<3x32x128xf32, #tpu.memory_space<vmem>> -> memref<1x32x128xf32, #tpu.memory_space<vmem>>
          %scatter3A_348 = tpu.memref_squeeze %scatter3A_347 : memref<1x32x128xf32, #tpu.memory_space<vmem>> -> memref<32x128xf32, #tpu.memory_space<vmem>>
          tpu.vector_store_idx %scatter3A_348[%add3A_339, %add3A_324], %gather3A_344 : memref<32x128xf32, #tpu.memory_space<vmem>>[vector<16xi32>, vector<16xi32>], vector<16xf32>,
          %add3A_349 = arith.constant 112 : i32
          %add3A_350 = vector.broadcast %add3A_349 : i32 to vector<16xi32>
          %add3A_351 = arith.addi %iota3A, %add3A_350 : vector<16xi32>
          %add3A_352 = arith.constant 0 : i32
          %add3A_353 = vector.broadcast %add3A_352 : i32 to vector<16xi32>
          %add3A_354 = arith.addi %and3A_161, %add3A_353 : vector<16xi32>
          %gather3A_355 = arith.constant 0 : i32
          %gather3A_356 = arith.constant 0 : i32
          %gather3A_357 = tpu.memref_slice %arg6[%select_n3A_115, %gather3A_355, %gather3A_356] : memref<3x128x128xf32, #tpu.memory_space<vmem>> -> memref<1x128x128xf32, #tpu.memory_space<vmem>>
          %gather3A_358 = tpu.memref_squeeze %gather3A_357 : memref<1x128x128xf32, #tpu.memory_space<vmem>> -> memref<128x128xf32, #tpu.memory_space<vmem>>
          %gather3A_359 = tpu.vector_load_idx %gather3A_358[%add3A_351, %add3A_354] : memref<128x128xf32, #tpu.memory_space<vmem>>[vector<16xi32>, vector<16xi32>], vector<16xf32>,
          %scatter3A_360 = arith.constant 0 : i32
          %scatter3A_361 = arith.constant 0 : i32
          %scatter3A_362 = tpu.memref_slice %arg7[%select_n3A_115, %scatter3A_360, %scatter3A_361] : memref<3x32x128xf32, #tpu.memory_space<vmem>> -> memref<1x32x128xf32, #tpu.memory_space<vmem>>
          %scatter3A_363 = tpu.memref_squeeze %scatter3A_362 : memref<1x32x128xf32, #tpu.memory_space<vmem>> -> memref<32x128xf32, #tpu.memory_space<vmem>>
          tpu.vector_store_idx %scatter3A_363[%add3A_354, %add3A_351], %gather3A_359 : memref<32x128xf32, #tpu.memory_space<vmem>>[vector<16xi32>, vector<16xi32>], vector<16xf32>,
          %add3A_364 = arith.constant 16 : i32
          %add3A_365 = vector.broadcast %add3A_364 : i32 to vector<16xi32>
          %add3A_366 = arith.addi %and3A_161, %add3A_365 : vector<16xi32>
          %gather3A_367 = arith.constant 0 : i32
          %gather3A_368 = arith.constant 0 : i32
          %gather3A_369 = tpu.memref_slice %arg6[%select_n3A_115, %gather3A_367, %gather3A_368] : memref<3x128x128xf32, #tpu.memory_space<vmem>> -> memref<1x128x128xf32, #tpu.memory_space<vmem>>
          %gather3A_370 = tpu.memref_squeeze %gather3A_369 : memref<1x128x128xf32, #tpu.memory_space<vmem>> -> memref<128x128xf32, #tpu.memory_space<vmem>>
          %gather3A_371 = tpu.vector_load_idx %gather3A_370[%add3A_351, %add3A_366] : memref<128x128xf32, #tpu.memory_space<vmem>>[vector<16xi32>, vector<16xi32>], vector<16xf32>,
          %scatter3A_372 = arith.constant 0 : i32
          %scatter3A_373 = arith.constant 0 : i32
          %scatter3A_374 = tpu.memref_slice %arg7[%select_n3A_115, %scatter3A_372, %scatter3A_373] : memref<3x32x128xf32, #tpu.memory_space<vmem>> -> memref<1x32x128xf32, #tpu.memory_space<vmem>>
          %scatter3A_375 = tpu.memref_squeeze %scatter3A_374 : memref<1x32x128xf32, #tpu.memory_space<vmem>> -> memref<32x128xf32, #tpu.memory_space<vmem>>
          tpu.vector_store_idx %scatter3A_375[%add3A_366, %add3A_351], %gather3A_371 : memref<32x128xf32, #tpu.memory_space<vmem>>[vector<16xi32>, vector<16xi32>], vector<16xf32>,
        }
        %scan3A_138 = arith.constant 16 : i32
        %mul3A_139 = arith.constant 128 : i32
        %mul3A_140 = arith.muli %scan3A_28, %mul3A_139 : i32
        %add3A_141 = arith.addi %mul3A_2, %mul3A_140 : i32
        %dma_start3A_142 = arith.constant 0 : i32
        %dma_start3A_143 = arith.constant 0 : i32
        %dma_start3A_144 = tpu.memref_slice %arg7[%select_n3A_115, %dma_start3A_142, %dma_start3A_143] : memref<3x32x128xf32, #tpu.memory_space<vmem>> -> memref<1x32x128xf32, #tpu.memory_space<vmem>>
        %dma_start3A_145 = tpu.memref_squeeze %dma_start3A_144 : memref<1x32x128xf32, #tpu.memory_space<vmem>> -> memref<32x128xf32, #tpu.memory_space<vmem>>
        %dma_start3A_146 = arith.constant 0 : i32
        %dma_start3A_147 = tpu.memref_slice %arg4[%scan3A_99, %dma_start3A_146, %add3A_141] : memref<100x32x16384xf32, #tpu.memory_space<hbm>> -> memref<1x32x128xf32, #tpu.memory_space<hbm>>
        %dma_start3A_148 = tpu.memref_squeeze %dma_start3A_147 : memref<1x32x128xf32, #tpu.memory_space<hbm>> -> memref<32x128xf32, #tpu.memory_space<hbm>>
        %dma_start3A_149 = arith.constant 0 : i32
        %dma_start3A_150 = tpu.memref_slice %arg4[%scan3A_99, %dma_start3A_149, %add3A_141] : memref<100x32x16384xf32, #tpu.memory_space<hbm>> -> memref<1x32x128xf32, #tpu.memory_space<hbm>>
        %dma_start3A_151 = tpu.memref_squeeze %dma_start3A_150 : memref<1x32x128xf32, #tpu.memory_space<hbm>> -> memref<32x128xf32, #tpu.memory_space<hbm>>
        %dma_start3A_152 = arith.constant 0 : i32
        %dma_start3A_153 = arith.constant 0 : i32
        %dma_start3A_154 = tpu.memref_slice %arg7[%select_n3A_115, %dma_start3A_152, %dma_start3A_153] : memref<3x32x128xf32, #tpu.memory_space<vmem>> -> memref<1x32x128xf32, #tpu.memory_space<vmem>>
        %dma_start3A_155 = tpu.memref_squeeze %dma_start3A_154 : memref<1x32x128xf32, #tpu.memory_space<vmem>> -> memref<32x128xf32, #tpu.memory_space<vmem>>
        tpu.enqueue_dma source(%dma_start3A_155 : memref<32x128xf32, #tpu.memory_space<vmem>>) target(%dma_start3A_151 : memref<32x128xf32, #tpu.memory_space<hbm>>) target_semaphore(%arg10 : memref<!tpu.dma_semaphore, #tpu.memory_space<semaphore_mem>>)
      }
      %scan3A_98 = arith.constant 100 : i32
    }
    %scan3A_21 = arith.constant 4 : i32
    %scan3A_22 = arith.constant 0 : i32
    %scan3A_23 = arith.constant 0 : i32
    %scan3A_24 = arith.constant 3 : i32
    %scan3A_25 = arith.addi %scan3A_23, %scan3A_24 : i32
    %scan3A_26 = arith.constant 1 : i32
    scf.for %scan3A_28 = %scan3A_23 to %scan3A_25 step %scan3A_26  : i32 {
      %add3A_29 = arith.constant 97 : i32
      %add3A_30 = arith.addi %add3A_29, %scan3A_28 : i32
      %jit3A = arith.constant 3 : i32
      %eq3A = arith.constant 0 : i32
      %eq3A_31 = arith.cmpi eq, %jit3A, %eq3A : i32
      %jit3A_32 = arith.constant 1 : i32
      %select_n3A = arith.select %eq3A_31, %jit3A_32, %jit3A : i32
      %rem3A = arith.remsi %add3A_30, %select_n3A : i32
      %ne3A = arith.constant 0 : i32
      %ne3A_33 = arith.cmpi ne, %rem3A, %ne3A : i32
      %lt3A = arith.constant 0 : i32
      %lt3A_34 = arith.cmpi slt, %rem3A, %lt3A : i32
      %lt3A_35 = arith.constant 0 : i32
      %lt3A_36 = arith.cmpi slt, %select_n3A, %lt3A_35 : i32
      %ne3A_37 = arith.xori %lt3A_34, %lt3A_36 : i1
      %and3A = arith.andi %ne3A_37, %ne3A_33 : i1
      %add3A_38 = arith.addi %rem3A, %select_n3A : i32
      %select_n3A_39 = arith.select %and3A, %add3A_38, %rem3A : i32
      %add3A_40 = arith.constant 384 : i32
      %add3A_41 = arith.addi %mul3A_2, %add3A_40 : i32
      %dma_wait3A = arith.constant 0 : i32
      %dma_wait3A_42 = arith.constant 0 : i32
      %dma_wait3A_43 = tpu.memref_slice %arg7[%select_n3A_39, %dma_wait3A, %dma_wait3A_42] : memref<3x32x128xf32, #tpu.memory_space<vmem>> -> memref<1x32x128xf32, #tpu.memory_space<vmem>>
      %dma_wait3A_44 = tpu.memref_squeeze %dma_wait3A_43 : memref<1x32x128xf32, #tpu.memory_space<vmem>> -> memref<32x128xf32, #tpu.memory_space<vmem>>
      %dma_wait3A_45 = arith.constant 0 : i32
      %dma_wait3A_46 = tpu.memref_slice %arg4[%add3A_30, %dma_wait3A_45, %add3A_41] : memref<100x32x16384xf32, #tpu.memory_space<hbm>> -> memref<1x32x128xf32, #tpu.memory_space<hbm>>
      %dma_wait3A_47 = tpu.memref_squeeze %dma_wait3A_46 : memref<1x32x128xf32, #tpu.memory_space<hbm>> -> memref<32x128xf32, #tpu.memory_space<hbm>>
      %dma_wait3A_48 = arith.constant 0 : i32
      %dma_wait3A_49 = tpu.memref_slice %arg4[%add3A_30, %dma_wait3A_48, %add3A_41] : memref<100x32x16384xf32, #tpu.memory_space<hbm>> -> memref<1x32x128xf32, #tpu.memory_space<hbm>>
      %dma_wait3A_50 = tpu.memref_squeeze %dma_wait3A_49 : memref<1x32x128xf32, #tpu.memory_space<hbm>> -> memref<32x128xf32, #tpu.memory_space<hbm>>
      %dma_wait3A_51 = arith.constant 0 : i32
      %dma_wait3A_52 = arith.constant 0 : i32
      %dma_wait3A_53 = tpu.memref_slice %arg7[%select_n3A_39, %dma_wait3A_51, %dma_wait3A_52] : memref<3x32x128xf32, #tpu.memory_space<vmem>> -> memref<1x32x128xf32, #tpu.memory_space<vmem>>
      %dma_wait3A_54 = tpu.memref_squeeze %dma_wait3A_53 : memref<1x32x128xf32, #tpu.memory_space<vmem>> -> memref<32x128xf32, #tpu.memory_space<vmem>>
      tpu.wait_dma2 semaphore(%arg10 : memref<!tpu.dma_semaphore, #tpu.memory_space<semaphore_mem>>) src(%dma_wait3A_54 : memref<32x128xf32, #tpu.memory_space<vmem>>) dst(%dma_wait3A_50 : memref<32x128xf32, #tpu.memory_space<hbm>>)
    }
    %scan3A_27 = arith.constant 3 : i32
    return
  }
}

module attributes {stable_mosaic.version = 14 : i64} {
  func.func @_padT_body(%arg0: i32, %arg1: memref<32x8192xf32, #tpu.memory_space<vmem>>, %arg2: memref<8192x128xf32, #tpu.memory_space<vmem>>) attributes {dimension_semantics = [#tpu.dimension_semantics<arbitrary>], iteration_bounds = array<i64: 123>, scalar_prefetch = 0 : i64, scratch_operands = 0 : i64, tpu.core_type = #tpu.core_type<tc>, window_params = [{transform_indices = @transform_0, window_bounds = array<i64: 32, 8192>}, {transform_indices = @transform_1, window_bounds = array<i64: 8192, 128>}]} {
    %get3A = arith.constant 0 : index
    %get3A_0 = arith.constant 0 : index
    %get3A_1 = vector.load %arg1[%get3A, %get3A_0] : memref<32x8192xf32, #tpu.memory_space<vmem>>, vector<32x8192xf32>
    %transpose3A = tpu.transpose %get3A_1, [1, 0] : vector<32x8192xf32> -> vector<8192x32xf32>
    %swap3A = arith.constant 0 : index
    %swap3A_2 = arith.constant 0 : index
    %swap3A_3 = vector.load %arg2[%swap3A, %swap3A_2] : memref<8192x128xf32, #tpu.memory_space<vmem>>, vector<8192x32xf32>
    tpu.vector_store %arg2[%swap3A, %swap3A_2], %transpose3A {strides = array<i32>} : memref<8192x128xf32, #tpu.memory_space<vmem>>, vector<8192x32xf32>,
    return
  }
  func.func @transform_0(%arg0: i32) -> (i32, i32) {
    %c0_i32 = arith.constant 0 : i32
    %c0_i32_0 = arith.constant 0 : i32
    return %c0_i32, %arg0 : i32, i32
  }
  func.func @transform_1(%arg0: i32) -> (i32, i32) {
    %c0_i32 = arith.constant 0 : i32
    %c0_i32_0 = arith.constant 0 : i32
    return %arg0, %c0_i32 : i32, i32
  }
}

</mosaic_0001>

<sc_bundles>
// kernel: kernel.4.cloned.1.call-start
scs
__scs_entry_jumppad:
0x0: {  	(pc) =	sbr.rel $0x88, $3  }
0x1: {  	(tag) =	ssettag $0x0;
	lr =	simm.s32 $0x1  }
0x2: {  	[smem:$0x3F9F] =	sst lr;
	_ =	strace $0xD0000000  }
0x3: {  	_ = 	snop  }
0x4: {  	_ = 	snop  }
0x5: {  	_ = 	snop  }
0x6: {  	_ = 	snop  }
0x7: {  	_ = 	snop  }
__scs_overlays_trampoline_lowered:
0x8: {  	[smem:$0x3FAE] =	sst s0  }
0x9: {  	[smem:$0x3FAF] =	sst s1  }
0xa: {  	[smem:$0x3FB0] =	sst s2  }
0xb: {  	[smem:$0x3FB1] =	sst s3  }
0xc: {  	[smem:$0x3FB2] =	sst s4  }
0xd: {  	[smem:$0x3FB3] =	sst s5  }
0xe: {  	[smem:$0x3FB4] =	sst s6  }
0xf: {  	[smem:$0x3FB5] =	sst s7  }
0x10: {  	[smem:$0x3FB6] =	sst s8  }
0x11: {  	[smem:$0x3FB7] =	sst s9;
	s0 =	simm.s32 @!p0 $0x0  }
0x12: {  	s1 =	sld [smem:$0x3F9D];
	s0 =	simm.s32 @p0 $0x1  }
0x13: {  	[smem:$0x3FB8] =	sst s0;
	s0 =	simm.s32 @!p1 $0x0  }
0x14: {  	s2 =	sld [smem:$0x3F9C];
	s0 =	simm.s32 @p1 $0x1  }
0x15: {  	[smem:$0x3FB9] =	sst s0;
	s0 =	simm.s32 @!p2 $0x0  }
0x16: {  	s3 =	sld [smem:$0x3FDB];
	s0 =	simm.s32 @p2 $0x1  }
0x17: {  	s4 =	simm.s32 $0x1BF5;
	[smem:$0x3FBB] =	sst s0  }
0x18: {  	s0 =	sld [smem:$0x3F9E];
	_ =	swait.ge [sflag:s4], $0x0  }
0x19: {  	s7 =	sld [smem:$0x3F9F]  }
0x1a: {  	s8 =	sadd.s32 $0xFFFFE003, lr  }
0x1b: {  	s9 =	sadd.s32 $0xFFFFFEF7, lr;
	s5 =	simm.s32 $0xFFFFFFFF;
	p2 =	slt.u32 s8, $0xFFFFF086  }
0x1c: {  	p1 =	slt.u32 s9, $0xF7A;
	s5 =	simm.s32 @!p2 $0x0  }
0x1d: {  	s5 =	simm.s32 @p1 $0x1;
	p0 =	seq.s32 s7, s2  }
0x1e: {  	s7 =	smul.u32 @!p0 $0xF7A, s2;
	p2 =	seq.s32 @!p0 s5, $0x0  }
0x1f: {  	s9 =	smul.u32 $0xF7A, s1;
	s8 =	simm.s32 @!p0 $0x1BF5;
	p2 =	por !p2, p0  }
0x20: {  	[sflag:s8] =	ssyncset.s32 @!p0 $0xFFFFF086;
	s6 =	sadd.s32 @!p0 s3, s7;
	s7 =	simm.s32 @!p0 $0x108  }
0x21: {  	s3 =	sadd.s32 s3, s9;
	s6 =	sadd.s32 @!p0 $0x88, s6;
	s7 =	simm.s32 @p2 $0x1082  }
0x22: {  	[simem:s7], [sflag:s8] =	dma.local @!p0 [hbm:s6], $0xF7A  }
0x23: {  	s9 =	sor.u32 $0xD0000000, s2;
	s6 =	simm.s32 $0x108;
	_ =	swait.ge @!p0 [sflag:s8], $0x0  }
0x24: {  	s3 =	sadd.s32 $0x88, s3;
	s6 =	simm.s32 @!p1 $0x1082;
	[sflag:s4] =	ssyncset.s32 $0xFFFFF086  }
0x25: {  	[simem:s6], [sflag:s4] =	dma.local [hbm:s3], $0xF7A  }
0x26: {  	[smem:$0x3F9F] =	sst s1;
	(tag) =	ssettag s2;
	_ =	strace s9  }
0x27: {  	s1 =	sld [smem:$0x3FAF]  }
0x28: {  	s2 =	sld [smem:$0x3FB0]  }
0x29: {  	s4 =	sld [smem:$0x3FB2]  }
0x2a: {  	p0 =	seq.s32 s5, $0x0;
	s5 =	sld [smem:$0x3FB3]  }
0x2b: {  	s6 =	sld [smem:$0x3FB4]  }
0x2c: {  	s7 =	sld [smem:$0x3FB5]  }
0x2d: {  	s3 =	simm.s32 $0x108;
	s8 =	sld [smem:$0x3FB6]  }
0x2e: {  	s3 =	simm.s32 @!p0 $0x1082;
	s9 =	sld [smem:$0x3FB7]  }
0x2f: {  	lr =	sadd.s32 s0, s3;
	s0 =	sld [smem:$0x3FAE]  }
0x30: {  	s3 =	sld [smem:$0x3FB1]  }
0x31: {  	[smem:$0x3FBA] =	sst s10  }
0x32: {  	s10 =	sld [smem:$0x3FB8];
	_ =	sdelay $0x3  }
0x33: {  	p0 =	seq.s32 s10, $0x1;
	s10 =	sld [smem:$0x3FBA];
	_ =	sdelay $0x3  }
0x34: {  	[smem:$0x3FBA] =	sst s10  }
0x35: {  	s10 =	sld [smem:$0x3FB9];
	_ =	sdelay $0x3  }
0x36: {  	p1 =	seq.s32 s10, $0x1;
	s10 =	sld [smem:$0x3FBA];
	_ =	sdelay $0x3  }
0x37: {  	[smem:$0x3FBA] =	sst s10  }
0x38: {  	s10 =	sld [smem:$0x3FBB]  }
0x39: {  	_ = 	snop;
	(pc) =	sbr.ind lr, $3  }
0x3a: {  	_ = 	snop  }
0x3b: {  	_ = 	snop  }
0x3c: {  	p2 =	seq.s32 s10, $0x1;
	s10 =	sld [smem:$0x3FBA]  }
0x3d: {  	_ =	shalt  }
0x3e: {  	_ =	shalt  }
0x3f: {  	_ =	shalt  }
0x40: {  	_ =	shalt  }
0x41: {  	_ =	shalt  }
0x42: {  	_ =	shalt  }
0x43: {  	_ =	shalt  }
0x44: {  	_ =	shalt  }
0x45: {  	_ =	shalt  }
0x46: {  	_ =	shalt  }
0x47: {  	_ =	shalt  }
0x48: {  	_ =	shalt  }
0x49: {  	_ =	shalt  }
0x4a: {  	_ =	shalt  }
0x4b: {  	_ =	shalt  }
0x4c: {  	_ =	shalt  }
0x4d: {  	_ =	shalt  }
0x4e: {  	_ =	shalt  }
0x4f: {  	_ =	shalt  }
0x50: {  	_ =	shalt  }
0x51: {  	_ =	shalt  }
0x52: {  	_ =	shalt  }
0x53: {  	_ =	shalt  }
0x54: {  	_ =	shalt  }
0x55: {  	_ =	shalt  }
0x56: {  	_ =	shalt  }
0x57: {  	_ =	shalt  }
0x58: {  	_ =	shalt  }
0x59: {  	_ =	shalt  }
0x5a: {  	_ =	shalt  }
0x5b: {  	_ =	shalt  }
0x5c: {  	_ =	shalt  }
0x5d: {  	_ =	shalt  }
0x5e: {  	_ =	shalt  }
0x5f: {  	_ =	shalt  }
0x60: {  	_ =	shalt  }
0x61: {  	_ =	shalt  }
0x62: {  	_ =	shalt  }
0x63: {  	_ =	shalt  }
0x64: {  	_ =	shalt  }
0x65: {  	_ =	shalt  }
0x66: {  	_ =	shalt  }
0x67: {  	_ =	shalt  }
0x68: {  	_ =	shalt  }
0x69: {  	_ =	shalt  }
0x6a: {  	_ =	shalt  }
0x6b: {  	_ =	shalt  }
0x6c: {  	_ =	shalt  }
0x6d: {  	_ =	shalt  }
0x6e: {  	_ =	shalt  }
0x6f: {  	_ =	shalt  }
0x70: {  	_ =	shalt  }
0x71: {  	_ =	shalt  }
0x72: {  	_ =	shalt  }
0x73: {  	_ =	shalt  }
0x74: {  	_ =	shalt  }
0x75: {  	_ =	shalt  }
0x76: {  	_ =	shalt  }
0x77: {  	_ =	shalt  }
0x78: {  	_ =	shalt  }
0x79: {  	_ =	shalt  }
0x7a: {  	_ =	shalt  }
0x7b: {  	_ =	shalt  }
0x7c: {  	_ =	shalt  }
0x7d: {  	_ =	shalt  }
0x7e: {  	_ =	shalt  }
0x7f: {  	_ =	shalt  }
0x80: {  	_ =	shalt  }
0x81: {  	_ =	shalt  }
0x82: {  	_ =	shalt  }
0x83: {  	_ =	shalt  }
0x84: {  	_ =	shalt  }
0x85: {  	_ =	shalt  }
0x86: {  	_ =	shalt  }
0x87: {  	_ =	shalt  }
.Lfunc_end0:
.L_simem_size_0:
called_computation_lowered:
.L_overlay_start_0:
0x88: {  	s2 =	sld [smem:$0x3FD9]  }
0x89: {  	s3 =	sld [smem:$0x3FFE];
	_ =	sdelay $0x1  }
0x8a: {  	s1 =	srdreg.scid  }
0x8b: {  	s0 =	sand.u32 $0x1, s1  }
0x8c: {  	s17 =	sshll.u32 s0, $0xA;
	s2 =	sadd.s32 s3, s2  }
0x8d: {  	s2 =	sadd.s32 s2, s17  }
0x8e: {  	[smem:$0x3FC6] =	sst s2  }
0x8f: {  	_ = 	snop  }
0x90: {  	s2 =	sld [smem:$0x3FC9]  }
0x91: {  	s18 =	sld [smem:$0x3FD0];
	(tm) =	ssettm $0x1  }
0x92: {  	s4 =	sld [smem:$0x3FFB];
	_ =	sdelay $0x3  }
0x93: {  	_ =	strace s4  }
0x94: {  	s4 =	sld [smem:$0x3FFC];
	_ =	sdelay $0x3  }
0x95: {  	_ =	strace s4  }
0x96: {  	s4 =	sld [smem:$0x3FFD];
	_ =	sdelay $0x3  }
0x97: {  	_ =	strace s4  }
0x98: {  	_ =	strace $0x8FFFFFFF  }
0x99: {  	s19 =	sld [smem:$0x3FDB];
	_ =	sdelay $0x1  }
0x9a: {  	s5 =	simm.s32 $_scs_section_size  }
0x9b: {  	s6 =	simm.s32 $_size__tile_overlayer_lowered;
	s7 =	simm.s32 $_tile_overlayer_lowered  }
0x9c: {  	s22 =	simm.s32 $0x1BFF;
	s21 =	sshll.u32 s7, $0x1;
	s4 =	sadd.s32 s5, s19  }
0x9d: {  	s8 =	simm.s32 $0x0;
	s20 =	sshll.u32 s6, $0x1;
	s6 =	sadd.s32 s21, s4  }
0x9e: {  	[timem:s8], [sflag:s22] =	dma.local [hbm:s6], s20  }
0x9f: {  	_ =	swait.ge [sflag:s22], s20  }
0xa0: {  	s5 =	ssub.s32 $0x0, s20;
	[sflag:s22] =	ssyncset.done $0x0  }
0xa1: {  	[sflag:s22] =	ssyncadd.s32 s5;
	_ =	sdelay $0x1  }
0xa2: {  	s23 =	simm.s32 $0x1B8B  }
0xa3: {  	_ =	swait.ge [sflag:s23], $0x1  }
0xa4: {  	[sflag:s23] =	ssyncset.done $0x0  }
0xa5: {  	s25 =	simm.s32 $0x1B8E;
	s24 =	sld [smem:$0x3FFE];
	[sflag:s23] =	ssyncadd.s32 $0xFFFFFFFF  }
0xa6: {  	s26 =	simm.s32 $execute0_lowered;
	[smem:$0x3FD2] =	sst s25  }
0xa7: {  	s6 =	sshll.u32 s26, $0x1;
	_ =	strace $0x80000046;
	[dreg:$0x1] =	wrdreg $0xFFFFFFFF  }
0xa8: {  	s28 =	simm.s32 $_size_execute0_lowered;
	s4 =	sadd.s32 s4, s6;
	[dreg:$0x0] =	wrdreg $0x0  }
0xa9: {  	s6 =	sshll.u32 s28, $0x1;
	[dreg:$0x2] =	wrdreg s4  }
0xaa: {  	[dreg:$0x3] =	wrdreg s6  }
0xab: {  	[dreg:$0x4] =	wrdreg $0xC0  }
0xac: {  	_ =	task [dreg:s8], $0x5FFFF  }
0xad: {  	[dreg:$0x1] =	wrdreg $0xFFFFFFFF  }
0xae: {  	[dreg:$0x0] =	wrdreg $0x60  }
0xaf: {  	[dreg:$0x2] =	wrdreg s2  }
0xb0: {  	[dreg:$0x3] =	wrdreg s24  }
0xb1: {  	[dreg:$0x4] =	wrdreg s18  }
0xb2: {  	[dreg:$0x5] =	wrdreg $0x9  }
0xb3: {  	_ =	task.clear_ibuf [dreg:s8], $0x6FFFF;
	_ =	strace $0x90000046  }
0xb4: {  	s29 =	simm.s32 $0x9;
	_ =	strace $0x80000048  }
0xb5: {  	_ =	swait.ge [sflag:s29], $0x1  }
0xb6: {  	[sflag:s29] =	ssyncadd.s32 $0xFFFFFFFF  }
0xb7: {  	_ =	strace $0x90000048  }
0xb8: {  	_ =	sfence  }
0xb9: {  	s30 =	sld [smem:$0x0];
	_ =	sdelay $0x2  }
0xba: {  	s31 =	sshll.u32 s1, $0xD;
	s1 =	sshrl.u32 s1, $0x2  }
0xbb: {  	s3 =	sand.u32 $0x4000, s31;
	s1 =	sadd.s32 s1, s30  }
0xbc: {  	s0 =	sor.u32 s3, s0;
	s1 =	sshll.u32 s1, $0x11  }
0xbd: {  	s0 =	sor.u32 s1, s0  }
0xbe: {  	s0 =	sadd.s32 $0x8F2B, s0  }
0xbf: {  	[sflag:s0] =	ssyncadd.remote.s32 $0x1  }
0xc0: {  	_ =	sfence.sel $0xFFFF  }
0xc1: {  	[dreg:$0x0] =	wrdreg $0xFFFFFFFF;
	(pc) =	sbr.abs _section_cstart, $3  }
0xc2: {  	[dreg:$0x1] =	wrdreg $0xFFFFFFFF  }
0xc3: {  	_ =	task.clear_ibuf [dreg:s8], $0x2FFFF;
	_ =	strace $0x9FFFFFFF  }
0xc4: {  	(tm) =	ssettm $0x7FFFFFFF  }
0xc5: {  	_ =	shalt  }
tec
execute0_lowered:
.L_overlay_start_1:
0x0: {  	(tag) =	ssettag $0x1  }
0x1: {  	v0 =	vlaneseq.u32;
	s3 =	rddreg [dreg:$0x0]  }
0x2: {  	s4 =	rddreg [dreg:$0x1];
	v1 =	vmul.u32 $0x80, v0  }
0x3: {  	s6 =	rddreg [dreg:$0x2];
	s2 =	srdreg.scid;
	v3 =	vor.u32 $0x800, v0;
	v5 =	vor.u32 $0x10, v0;
	v7 =	vor.u32 $0x810, v0  }
0x4: {  	s0 =	rddreg [dreg:$0x3];
	s1 =	stileid.u32;
	s9 =	simm.s32 $0x20000;
	v9 =	vor.u32 $0x20, v0;
	v11 =	vor.u32 $0x820, v0;
	v13 =	vor.u32 $0x30, v0  }
0x5: {  	s10 =	simm.s32 $0x3000;
	s11 =	simm.s32 $0x1;
	s12 =	simm.s32 $0x80;
	v15 =	vor.u32 $0x830, v0;
	v17 =	vor.u32 $0x40, v0;
	v19 =	vor.u32 $0x840, v0  }
0x6: {  	s13 =	simm.s32 $0x6800;
	s14 =	simm.s32 $0xA800;
	s15 =	simm.s32 $0x2;
	v21 =	vor.u32 $0x50, v0;
	v23 =	vor.u32 $0x850, v0;
	v25 =	vor.u32 $0x60, v0  }
0x7: {  	s16 =	simm.s32 $0x3;
	s17 =	simm.s32 $0x0;
	s5 =	sand.u32 $0x1, s2;
	v27 =	vor.u32 $0x860, v0;
	v29 =	vor.u32 $0x70, v0;
	v31 =	vor.u32 $0x870, v0  }
0x8: {  	s2 =	simm.s32 $0x0;
	s7 =	sshll.u32 s1, $0xA;
	s4 =	sadd.s32 $0x400, s4;
	v2 =	vor.u32 $0x10, v1;
	v4 =	vor.u32 $0x800, v1;
	v6 =	vor.u32 $0x810, v1  }
0x9: {  	s8 =	sshll.u32 s5, $0x9;
	[smem:$0x7FF] =	sst s2;
	s5 =	ssub.s32 $0x2, s5;
	v8 =	vor.u32 $0x1000, v1;
	v10 =	vor.u32 $0x1010, v1;
	v12 =	vor.u32 $0x1800, v1  }
0xa: {  	s7 =	sor.u32 s8, s7;
	_ =	strace $0x80000047;
	s31 =	sshrl.u32 s5, $0x1;
	v14 =	vor.u32 $0x1810, v1;
	v16 =	vor.u32 $0x2000, v1;
	v18 =	vor.u32 $0x2010, v1  }
0xb: {  	v20 =	vor.u32 $0x2800, v1;
	v22 =	vor.u32 $0x2810, v1;
	v24 =	vor.u32 $0x3000, v1;
	s3 =	sadd.s32 s3, s7;
	s8 =	ssub.s32 s5, s31;
	s6 =	sadd.s32 s6, s7  }
0xc: {  	v26 =	vor.u32 $0x3010, v1;
	v28 =	vor.u32 $0x3800, v1;
	v30 =	vor.u32 $0x3810, v1;
	s5 =	sadd.s32 $0x30000, s3;
	s7 =	smax.u32 s8, $0x1;
	s8 =	simm.s32 $0x400  }
.LBB2_1:
0xd: {  	[tilespmem:s2], [sflag:$0x1] =	stream.strided.gather [hbm4b:s3+s8], $0x3000, s9, s8, $0x38;
	[tilespmem:$0x15800] =	vst v63  }
0xe: {  	s18 =	simm.s32 $0x0  }
0xf: {  	[tilespmem:s10], [sflag:$0x1] =	stream.linear.gather [hbm4b:s5+s2], $0x200, $0x38;
	[tilespmem:$0x15800] =	vst v63  }
.LBB2_2:
0x10: {  	s19 =	sadd.s32 $0x1, s18;
	p0 =	seq.s32 s18, $0x3;
	_ =	swait.ge [sflag:s11], $0x3200  }
0x11: {  	s20 =	sand.u32 @!p0 $0x1, s19;
	[sflag:s11] =	ssyncset.done $0x0;
	s21 =	sshll.u32 @!p0 s19, $0x7  }
0x12: {  	s22 =	simm.s32 @!p0 $0x400;
	s23 =	simm.s32 @!p0 $0x20000;
	p1 =	seq.s32 @!p0 s20, $0x1  }
0x13: {  	s20 =	simm.s32 @!p0 $0x3400;
	[sflag:s11] =	ssyncadd.s32 $0xFFFFCE00;
	p1 =	por !p1, p0  }
0x14: {  	s21 =	sadd.s32 @!p0 s21, s3;
	s20 =	simm.s32 @p1 $0x0;
	p1 =	sne.s32 @!p0 s18, $0x0  }
0x15: {  	[tilespmem:s20], [sflag:$0x1] =	stream.strided.gather @!p0 [hbm4b:s21+s22], $0x3000, s23, s22, $0x38;
	[tilespmem:$0x15800] =	vst v63  }
0x16: {  	s21 =	sadd.s32 @!p0 $0x30000, s21;
	s20 =	sadd.s32 @!p0 $0x3000, s20;
	s22 =	simm.s32 @!p0 $0x0  }
0x17: {  	[tilespmem:s20], [sflag:$0x1] =	stream.linear.gather @!p0 [hbm4b:s21+s22], $0x200, $0x38;
	[tilespmem:$0x15800] =	vst v63  }
0x18: {  	p0 =	por p0, p1  }
.Ltmp0:
0x19: {  	_ = 	snop;
	(pc) =	sbr.rel @!p0 .LBB2_3-.Ltmp0, $1  }
0x1a: {  	_ =	sdelay $0x3  }
0x1b: {  	_ =	swait.ge [sflag:s16], $0x1000;
	s20 =	sand.u32 $0x1, s18  }
0x1c: {  	[sflag:s16] =	ssyncset.done $0x0;
	p0 =	seq.s32 s20, $0x1;
	s20 =	simm.s32 $0x3400  }
.Ltmp1:
0x1d: {  	[sflag:s16] =	ssyncadd.s32 $0xFFFFF000;
	s20 =	simm.s32 @!p0 $0x0;
	(pc) =	sbr.rel .LBB2_8-.Ltmp1, $4  }
0x1e: {  	[tilespmem:s13], [sflag:$0x2] =	stream.indirect.gather [hbm4b:s4+s12], $0x80, s20, s12, $0xb8;
	[tilespmem:$0x15800] =	vst v63  }
0x1f: {  	_ =	swait.ge [sflag:s16], $0x1000  }
0x20: {  	[sflag:s16] =	ssyncset.done $0x0  }
0x21: {  	[sflag:s16] =	ssyncadd.s32 $0xFFFFF000  }
.LBB2_3:
0x22: {  	s20 =	simm.s32 $0x0  }
0x23: {  	[tilespmem:s13], [sflag:$0x2] =	stream.indirect.gather [hbm4b:s4+s12], $0x80, s20, s12, $0xb8;
	[tilespmem:$0x15800] =	vst v63  }
.LBB2_8:
0x24: {  	s21 =	sadd.s32 $0x80, s20;
	s31 =	sshll.u32 s18, $0x7  }
0x25: {  	[tilespmem:s14], [sflag:$0x2] =	stream.indirect.gather [hbm4b:s4+s12], $0x80, s21, s12, $0xb8;
	[tilespmem:$0x15800] =	vst v63  }
0x26: {  	s22 =	simm.s32 $0x0;
	s23 =	simm.s32 $0x0;
	s21 =	sadd.s32 s31, s6  }
.LBB2_9:
0x27: {  	s24 =	smul.u32 $0xAB, s23;
	s25 =	sadd.s32 $0x2, s23;
	p0 =	sgt.u32 s23, $0x61  }
0x28: {  	s26 =	smul.u32 @!p0 $0xAB, s25  }
0x29: {  	s24 =	sshrl.u32 s24, $0x9  }
0x2a: {  	s28 =	sor.u32 @!p0 s18, s23;
	s24 =	sand.u32 $0x7F, s24;
	s26 =	sshrl.u32 @!p0 s26, $0x9  }
0x2b: {  	p1 =	seq.s32 @!p0 s28, $0x0;
	s24 =	smul.u32 $0x3, s24;
	s26 =	sand.u32 @!p0 $0x7F, s26  }
0x2c: {  	p1 =	por p1, p0;
	s26 =	smul.u32 @!p0 $0x3, s26  }
0x2d: {  	s28 =	simm.s32 @!p1 $0x3  }
0x2e: {  	_ =	swait.ge @!p1 [sflag:s28], $0x1000;
	s24 =	ssub.s32 s23, s24;
	s26 =	ssub.s32 @!p0 s25, s26  }
0x2f: {  	v32 =	vadd.s32 s22, v0;
	[sflag:s28] =	ssyncset.done @!p1 $0x0;
	s25 =	sshll.u32 @!p0 s25, $0x7;
	s26 =	sand.u32 @!p0 $0xFF, s26  }
0x30: {  	v34 =	vand.u32 $0xF, v32;
	[sflag:s28] =	ssyncadd.s32 @!p1 $0xFFFFF000;
	s25 =	sand.u32 @!p0 $0x3FFFFF80, s25;
	s26 =	sshll.u32 @!p0 s26, $0xE  }
0x31: {  	v35 =	vor.u32 v1, v34;
	s28 =	simm.s32 @!p0 $0x80;
	s25 =	sadd.s32 @!p0 s25, s20;
	s26 =	sadd.s32 @!p0 $0x6800, s26  }
0x32: {  	[tilespmem:s26], [sflag:$0x2] =	stream.indirect.gather @!p0 [hbm4b:s4+s28], $0x80, s25, s28, $0xb8;
	[tilespmem:$0x15800] =	vst v63  }
0x33: {  	s30 =	sand.u32 $0xFF, s24;
	_ =	swait.ge [sflag:s15], $0x4000  }
0x34: {  	s24 =	sshll.u32 s30, $0xE;
	[sflag:s15] =	ssyncset.done $0x0  }
0x35: {  	v33 =	vshll.u32 v34, $0x7;
	s24 =	sadd.s32 $0x6800, s24;
	[sflag:s15] =	ssyncadd.s32 $0xFFFFC000  }
0x36: {  	v36 =	vor.u32 v0, v33;
	v35 =	vld.idx.msk [tilespmem:v35+s24+$0x0], $0xffff  }
0x37: {  	v37 =	vor.u32 v2, v32;
	_ =	sdelay $0x1  }
0x38: {  	s25 =	sshll.u32 s30, $0xC  }
0x39: {  	s25 =	sadd.s32 $0x12800, s25  }
0x3a: {  	[tilespmem:v36+s25+$0x0] =	vst.idx.msk $0xffff, v35  }
0x3b: {  	v61 =	vor.u32 v3, v33;
	v35 =	vld.idx.msk [tilespmem:v37+s24+$0x0], $0xffff  }
0x3c: {  	v62 =	vor.u32 v4, v34;
	_ =	sdelay $0x3  }
0x3d: {  	[tilespmem:v61+s25+$0x0] =	vst.idx.msk $0xffff, v35  }
0x3e: {  	v63 =	vor.u32 v5, v33;
	v35 =	vld.idx.msk [tilespmem:v62+s24+$0x0], $0xffff  }
0x3f: {  	v40 =	vor.u32 v6, v32;
	_ =	sdelay $0x3  }
0x40: {  	[tilespmem:v63+s25+$0x0] =	vst.idx.msk $0xffff, v35  }
0x41: {  	v41 =	vor.u32 v7, v33;
	v35 =	vld.idx.msk [tilespmem:v40+s24+$0x0], $0xffff  }
0x42: {  	v42 =	vor.u32 v8, v34;
	_ =	sdelay $0x3  }
0x43: {  	[tilespmem:v41+s25+$0x0] =	vst.idx.msk $0xffff, v35  }
0x44: {  	v43 =	vor.u32 v9, v33;
	v35 =	vld.idx.msk [tilespmem:v42+s24+$0x0], $0xffff  }
0x45: {  	v44 =	vor.u32 v10, v32;
	_ =	sdelay $0x3  }
0x46: {  	[tilespmem:v43+s25+$0x0] =	vst.idx.msk $0xffff, v35  }
0x47: {  	v45 =	vor.u32 v11, v33;
	v35 =	vld.idx.msk [tilespmem:v44+s24+$0x0], $0xffff  }
0x48: {  	v46 =	vor.u32 v12, v34;
	_ =	sdelay $0x3  }
0x49: {  	[tilespmem:v45+s25+$0x0] =	vst.idx.msk $0xffff, v35  }
0x4a: {  	v47 =	vor.u32 v13, v33;
	v35 =	vld.idx.msk [tilespmem:v46+s24+$0x0], $0xffff  }
0x4b: {  	v48 =	vor.u32 v14, v32;
	_ =	sdelay $0x3  }
0x4c: {  	[tilespmem:v47+s25+$0x0] =	vst.idx.msk $0xffff, v35  }
0x4d: {  	v49 =	vor.u32 v15, v33;
	v35 =	vld.idx.msk [tilespmem:v48+s24+$0x0], $0xffff  }
0x4e: {  	v50 =	vor.u32 v16, v34;
	_ =	sdelay $0x3  }
0x4f: {  	[tilespmem:v49+s25+$0x0] =	vst.idx.msk $0xffff, v35  }
0x50: {  	v51 =	vor.u32 v17, v33;
	v35 =	vld.idx.msk [tilespmem:v50+s24+$0x0], $0xffff  }
0x51: {  	v52 =	vor.u32 v18, v32;
	_ =	sdelay $0x3  }
0x52: {  	[tilespmem:v51+s25+$0x0] =	vst.idx.msk $0xffff, v35  }
0x53: {  	v53 =	vor.u32 v19, v33;
	v35 =	vld.idx.msk [tilespmem:v52+s24+$0x0], $0xffff  }
0x54: {  	v54 =	vor.u32 v20, v34;
	_ =	sdelay $0x3  }
0x55: {  	[tilespmem:v53+s25+$0x0] =	vst.idx.msk $0xffff, v35  }
0x56: {  	v55 =	vor.u32 v21, v33;
	v35 =	vld.idx.msk [tilespmem:v54+s24+$0x0], $0xffff  }
0x57: {  	v56 =	vor.u32 v22, v32;
	_ =	sdelay $0x3  }
0x58: {  	[tilespmem:v55+s25+$0x0] =	vst.idx.msk $0xffff, v35  }
0x59: {  	v57 =	vor.u32 v23, v33;
	v35 =	vld.idx.msk [tilespmem:v56+s24+$0x0], $0xffff  }
0x5a: {  	v58 =	vor.u32 v24, v34;
	_ =	sdelay $0x3  }
0x5b: {  	[tilespmem:v57+s25+$0x0] =	vst.idx.msk $0xffff, v35  }
0x5c: {  	v59 =	vor.u32 v25, v33;
	v35 =	vld.idx.msk [tilespmem:v58+s24+$0x0], $0xffff  }
0x5d: {  	v60 =	vor.u32 v26, v32;
	_ =	sdelay $0x3  }
0x5e: {  	[tilespmem:v59+s25+$0x0] =	vst.idx.msk $0xffff, v35  }
0x5f: {  	v61 =	vor.u32 v27, v33;
	v35 =	vld.idx.msk [tilespmem:v60+s24+$0x0], $0xffff  }
0x60: {  	v34 =	vor.u32 v28, v34;
	_ =	sdelay $0x3  }
0x61: {  	[tilespmem:v61+s25+$0x0] =	vst.idx.msk $0xffff, v35  }
0x62: {  	v62 =	vor.u32 v29, v33;
	v34 =	vld.idx.msk [tilespmem:v34+s24+$0x0], $0xffff  }
0x63: {  	v63 =	vor.u32 v30, v32;
	_ =	sdelay $0x3  }
0x64: {  	s31 =	simm.s32 $0x1;
	[tilespmem:v62+s25+$0x0] =	vst.idx.msk $0xffff, v34  }
0x65: {  	s26 =	simm.s32 $0x2;
	v32 =	vadd.s32 s31, v0;
	v35 =	vld.idx.msk [tilespmem:v63+s24+$0x0], $0xffff  }
.LBB2_10:
0x66: {  	p0 =	sne.s32 s26, $0xF;
	v34 =	vand.u32 $0xF, v32;
	v33 =	vor.u32 v31, v33  }
0x67: {  	v36 =	vor.u32 v1, v34;
	_ =	sdelay $0x3  }
0x68: {  	[tilespmem:v33+s25+$0x0] =	vst.idx.msk $0xffff, v35  }
0x69: {  	v33 =	vshll.u32 v34, $0x7;
	v35 =	vld.idx.msk [tilespmem:v36+s24+$0x0], $0xffff  }
0x6a: {  	v36 =	vor.u32 v0, v33  }
0x6b: {  	v37 =	vor.u32 v2, v32;
	_ =	sdelay $0x3  }
0x6c: {  	[tilespmem:v36+s25+$0x0] =	vst.idx.msk $0xffff, v35  }
0x6d: {  	v35 =	vld.idx.msk [tilespmem:v37+s24+$0x0], $0xffff  }
0x6e: {  	v36 =	vor.u32 v3, v33  }
0x6f: {  	v37 =	vor.u32 v4, v34;
	_ =	sdelay $0x3  }
0x70: {  	[tilespmem:v36+s25+$0x0] =	vst.idx.msk $0xffff, v35  }
0x71: {  	v35 =	vld.idx.msk [tilespmem:v37+s24+$0x0], $0xffff  }
0x72: {  	v36 =	vor.u32 v5, v33  }
0x73: {  	v37 =	vor.u32 v6, v32;
	_ =	sdelay $0x3  }
0x74: {  	[tilespmem:v36+s25+$0x0] =	vst.idx.msk $0xffff, v35  }
0x75: {  	v35 =	vld.idx.msk [tilespmem:v37+s24+$0x0], $0xffff  }
0x76: {  	v36 =	vor.u32 v7, v33  }
0x77: {  	v37 =	vor.u32 v8, v34;
	_ =	sdelay $0x3  }
0x78: {  	[tilespmem:v36+s25+$0x0] =	vst.idx.msk $0xffff, v35  }
0x79: {  	v35 =	vld.idx.msk [tilespmem:v37+s24+$0x0], $0xffff  }
0x7a: {  	v36 =	vor.u32 v9, v33  }
0x7b: {  	v37 =	vor.u32 v10, v32;
	_ =	sdelay $0x3  }
0x7c: {  	[tilespmem:v36+s25+$0x0] =	vst.idx.msk $0xffff, v35  }
0x7d: {  	v35 =	vld.idx.msk [tilespmem:v37+s24+$0x0], $0xffff  }
0x7e: {  	v36 =	vor.u32 v11, v33  }
0x7f: {  	v37 =	vor.u32 v12, v34;
	_ =	sdelay $0x3  }
0x80: {  	[tilespmem:v36+s25+$0x0] =	vst.idx.msk $0xffff, v35  }
0x81: {  	v35 =	vld.idx.msk [tilespmem:v37+s24+$0x0], $0xffff  }
0x82: {  	v36 =	vor.u32 v13, v33  }
0x83: {  	v37 =	vor.u32 v14, v32;
	_ =	sdelay $0x3  }
0x84: {  	[tilespmem:v36+s25+$0x0] =	vst.idx.msk $0xffff, v35  }
0x85: {  	v35 =	vld.idx.msk [tilespmem:v37+s24+$0x0], $0xffff  }
0x86: {  	v36 =	vor.u32 v15, v33  }
0x87: {  	v37 =	vor.u32 v16, v34;
	_ =	sdelay $0x3  }
0x88: {  	[tilespmem:v36+s25+$0x0] =	vst.idx.msk $0xffff, v35  }
0x89: {  	v35 =	vld.idx.msk [tilespmem:v37+s24+$0x0], $0xffff  }
0x8a: {  	v36 =	vor.u32 v17, v33  }
0x8b: {  	v37 =	vor.u32 v18, v32;
	_ =	sdelay $0x3  }
0x8c: {  	[tilespmem:v36+s25+$0x0] =	vst.idx.msk $0xffff, v35  }
0x8d: {  	v35 =	vld.idx.msk [tilespmem:v37+s24+$0x0], $0xffff  }
0x8e: {  	v36 =	vor.u32 v19, v33  }
0x8f: {  	v37 =	vor.u32 v20, v34;
	_ =	sdelay $0x3  }
0x90: {  	[tilespmem:v36+s25+$0x0] =	vst.idx.msk $0xffff, v35  }
0x91: {  	v35 =	vld.idx.msk [tilespmem:v37+s24+$0x0], $0xffff  }
0x92: {  	v36 =	vor.u32 v21, v33  }
0x93: {  	v37 =	vor.u32 v22, v32;
	_ =	sdelay $0x3  }
0x94: {  	[tilespmem:v36+s25+$0x0] =	vst.idx.msk $0xffff, v35  }
0x95: {  	v35 =	vld.idx.msk [tilespmem:v37+s24+$0x0], $0xffff  }
0x96: {  	v36 =	vor.u32 v23, v33  }
0x97: {  	v37 =	vor.u32 v24, v34;
	_ =	sdelay $0x3  }
0x98: {  	[tilespmem:v36+s25+$0x0] =	vst.idx.msk $0xffff, v35  }
0x99: {  	v35 =	vld.idx.msk [tilespmem:v37+s24+$0x0], $0xffff  }
0x9a: {  	v36 =	vor.u32 v25, v33  }
0x9b: {  	v37 =	vor.u32 v26, v32;
	_ =	sdelay $0x3  }
0x9c: {  	[tilespmem:v36+s25+$0x0] =	vst.idx.msk $0xffff, v35  }
0x9d: {  	v35 =	vld.idx.msk [tilespmem:v37+s24+$0x0], $0xffff  }
0x9e: {  	v36 =	vor.u32 v27, v33  }
0x9f: {  	v34 =	vor.u32 v28, v34;
	_ =	sdelay $0x3  }
0xa0: {  	[tilespmem:v36+s25+$0x0] =	vst.idx.msk $0xffff, v35  }
0xa1: {  	v34 =	vld.idx.msk [tilespmem:v34+s24+$0x0], $0xffff  }
0xa2: {  	v35 =	vor.u32 v29, v33  }
0xa3: {  	v36 =	vor.u32 v30, v32  }
.Ltmp2:
0xa4: {  	(pc) =	sbr.rel @p0 .LBB2_10-.Ltmp2, $3  }
0xa5: {  	_ =	sdelay $0x1  }
0xa6: {  	[tilespmem:v35+s25+$0x0] =	vst.idx.msk $0xffff, v34  }
0xa7: {  	v32 =	vadd.s32 s26, v0;
	s26 =	sadd.s32 $0x1, s26;
	v35 =	vld.idx.msk [tilespmem:v36+s24+$0x0], $0xffff  }
0xa8: {  	v34 =	vand.u32 $0xF, v32;
	v33 =	vor.u32 v31, v33  }
0xa9: {  	v36 =	vor.u32 v1, v34;
	_ =	sdelay $0x3  }
0xaa: {  	[tilespmem:v33+s25+$0x0] =	vst.idx.msk $0xffff, v35;
	v33 =	vshll.u32 v34, $0x7  }
0xab: {  	v35 =	vld.idx.msk [tilespmem:v36+s24+$0x0], $0xffff;
	v60 =	vor.u32 v0, v33  }
0xac: {  	v37 =	vor.u32 v2, v32;
	_ =	sdelay $0x3  }
0xad: {  	[tilespmem:v60+s25+$0x0] =	vst.idx.msk $0xffff, v35  }
0xae: {  	v61 =	vor.u32 v3, v33;
	v35 =	vld.idx.msk [tilespmem:v37+s24+$0x0], $0xffff  }
0xaf: {  	v62 =	vor.u32 v4, v34;
	_ =	sdelay $0x3  }
0xb0: {  	[tilespmem:v61+s25+$0x0] =	vst.idx.msk $0xffff, v35  }
0xb1: {  	v63 =	vor.u32 v5, v33;
	v35 =	vld.idx.msk [tilespmem:v62+s24+$0x0], $0xffff  }
0xb2: {  	v40 =	vor.u32 v6, v32;
	_ =	sdelay $0x3  }
0xb3: {  	[tilespmem:v63+s25+$0x0] =	vst.idx.msk $0xffff, v35  }
0xb4: {  	v41 =	vor.u32 v7, v33;
	v35 =	vld.idx.msk [tilespmem:v40+s24+$0x0], $0xffff  }
0xb5: {  	v42 =	vor.u32 v8, v34;
	_ =	sdelay $0x3  }
0xb6: {  	[tilespmem:v41+s25+$0x0] =	vst.idx.msk $0xffff, v35  }
0xb7: {  	v43 =	vor.u32 v9, v33;
	v35 =	vld.idx.msk [tilespmem:v42+s24+$0x0], $0xffff  }
0xb8: {  	v44 =	vor.u32 v10, v32;
	_ =	sdelay $0x3  }
0xb9: {  	[tilespmem:v43+s25+$0x0] =	vst.idx.msk $0xffff, v35  }
0xba: {  	v45 =	vor.u32 v11, v33;
	v35 =	vld.idx.msk [tilespmem:v44+s24+$0x0], $0xffff  }
0xbb: {  	v46 =	vor.u32 v12, v34;
	_ =	sdelay $0x3  }
0xbc: {  	[tilespmem:v45+s25+$0x0] =	vst.idx.msk $0xffff, v35  }
0xbd: {  	v47 =	vor.u32 v13, v33;
	v35 =	vld.idx.msk [tilespmem:v46+s24+$0x0], $0xffff  }
0xbe: {  	v48 =	vor.u32 v14, v32;
	_ =	sdelay $0x3  }
0xbf: {  	[tilespmem:v47+s25+$0x0] =	vst.idx.msk $0xffff, v35  }
0xc0: {  	v49 =	vor.u32 v15, v33;
	v35 =	vld.idx.msk [tilespmem:v48+s24+$0x0], $0xffff  }
0xc1: {  	v50 =	vor.u32 v16, v34;
	_ =	sdelay $0x3  }
0xc2: {  	[tilespmem:v49+s25+$0x0] =	vst.idx.msk $0xffff, v35  }
0xc3: {  	v51 =	vor.u32 v17, v33;
	v35 =	vld.idx.msk [tilespmem:v50+s24+$0x0], $0xffff  }
0xc4: {  	v52 =	vor.u32 v18, v32;
	_ =	sdelay $0x3  }
0xc5: {  	[tilespmem:v51+s25+$0x0] =	vst.idx.msk $0xffff, v35  }
0xc6: {  	v53 =	vor.u32 v19, v33;
	v35 =	vld.idx.msk [tilespmem:v52+s24+$0x0], $0xffff  }
0xc7: {  	v54 =	vor.u32 v20, v34;
	_ =	sdelay $0x3  }
0xc8: {  	[tilespmem:v53+s25+$0x0] =	vst.idx.msk $0xffff, v35  }
0xc9: {  	v55 =	vor.u32 v21, v33;
	v35 =	vld.idx.msk [tilespmem:v54+s24+$0x0], $0xffff  }
0xca: {  	v56 =	vor.u32 v22, v32;
	_ =	sdelay $0x3  }
0xcb: {  	[tilespmem:v55+s25+$0x0] =	vst.idx.msk $0xffff, v35  }
0xcc: {  	v57 =	vor.u32 v23, v33;
	v35 =	vld.idx.msk [tilespmem:v56+s24+$0x0], $0xffff  }
0xcd: {  	v58 =	vor.u32 v24, v34;
	_ =	sdelay $0x3  }
0xce: {  	[tilespmem:v57+s25+$0x0] =	vst.idx.msk $0xffff, v35  }
0xcf: {  	v59 =	vor.u32 v25, v33;
	v35 =	vld.idx.msk [tilespmem:v58+s24+$0x0], $0xffff  }
0xd0: {  	v60 =	vor.u32 v26, v32;
	_ =	sdelay $0x3  }
0xd1: {  	[tilespmem:v59+s25+$0x0] =	vst.idx.msk $0xffff, v35  }
0xd2: {  	v61 =	vor.u32 v27, v33;
	v35 =	vld.idx.msk [tilespmem:v60+s24+$0x0], $0xffff  }
0xd3: {  	v34 =	vor.u32 v28, v34;
	_ =	sdelay $0x3  }
0xd4: {  	[tilespmem:v61+s25+$0x0] =	vst.idx.msk $0xffff, v35  }
0xd5: {  	v62 =	vor.u32 v29, v33;
	v34 =	vld.idx.msk [tilespmem:v34+s24+$0x0], $0xffff  }
0xd6: {  	v63 =	vor.u32 v30, v32;
	_ =	sdelay $0x3  }
0xd7: {  	[tilespmem:v62+s25+$0x0] =	vst.idx.msk $0xffff, v34  }
0xd8: {  	s31 =	sshll.u32 s23, $0x10;
	s23 =	sadd.s32 $0x1, s23;
	v33 =	vor.u32 v31, v33;
	v32 =	vld.idx.msk [tilespmem:v63+s24+$0x0], $0xffff  }
0xd9: {  	p0 =	seq.s32 s23, $0x64  }
.Ltmp3:
0xda: {  	_ = 	snop;
	(pc) =	sbr.rel @!p0 .LBB2_9-.Ltmp3, $3  }
0xdb: {  	_ =	sdelay $0x1  }
0xdc: {  	s24 =	sadd.s32 s31, s21;
	[tilespmem:v33+s25+$0x0] =	vst.idx.msk $0xffff, v32  }
0xdd: {  	[hbm4b:s24+s8] =	stream.strided.scatter [tilespmem:s25], [sflag:$0x3], $0x1000, s9, s8, $0x38;
	[tilespmem:$0x15800] =	vst v63  }
0xde: {  	p0 =	sne.s32 s19, $0x4  }
.Ltmp4:
0xdf: {  	_ = 	snop;
	(pc) =	sbr.rel @p0 .LBB2_2-.Ltmp4, $2  }
0xe0: {  	_ =	sdelay $0x2  }
0xe1: {  	s18 =	smov.u32 s19  }
0xe2: {  	_ =	swait.ge [sflag:s16], $0x1000  }
0xe3: {  	[sflag:s16] =	ssyncset.done $0x0  }
0xe4: {  	s17 =	sadd.s32 $0x1, s17;
	[sflag:s16] =	ssyncadd.s32 $0xFFFFF000  }
0xe5: {  	p0 =	seq.s32 s17, s7;
	_ =	swait.ge [sflag:s16], $0x1000  }
.Ltmp5:
0xe6: {  	[sflag:s16] =	ssyncset.done $0x0;
	(pc) =	sbr.rel @!p0 .LBB2_1-.Ltmp5, $4  }
0xe7: {  	[sflag:s16] =	ssyncadd.s32 $0xFFFFF000  }
0xe8: {  	_ =	swait.ge [sflag:s16], $0x1000  }
0xe9: {  	[sflag:s16] =	ssyncset.done $0x0  }
0xea: {  	[sflag:s16] =	ssyncadd.s32 $0xFFFFF000  }
0xeb: {  	_ =	sfence.sel $0x180000  }
0xec: {  	[bflag:$0x0] =	sbarrier.arrive $0xFFFF  }
0xed: {  	p0 =	sne.s32 s1, $0x0;
	_ =	strace $0x90000047  }
0xee: {  	s0 =	sadd.s32 @!p0 $0x100000, s0;
	[bflag:$0x2] =	sbarrier.arrive $0xFFFF  }
0xef: {  	[sflag:s0] =	ssyncadd.tile.s32 @!p0 $0x1;
	_ =	shalt  }
.Lfunc_end2:
_tile_overlayer_lowered:
.L_overlay_start_2:
0xf0: {  	(tag) =	ssettag $0x2  }
0xf1: {  	s0 =	rddreg [dreg:$0x0];
	s2 =	stileid.u32  }
0xf2: {  	s1 =	rddreg [dreg:$0x1];
	p0 =	sne.s32 s2, $0x0  }
0xf3: {  	s3 =	rddreg [dreg:$0x2];
	[bflag:$0x3] =	sbarrier.arrive $0xFFFF;
	s2 =	simm.s32 @!p0 $0x1C04  }
0xf4: {  	[timem:s3], [sflag:s2] =	dma.local @!p0 [hbm:s0], s1  }
0xf5: {  	s0 =	simm.s32 @!p0 $0x4  }
0xf6: {  	_ =	swait.ge @!p0 [sflag:s0], s1  }
0xf7: {  	s1 =	ssub.s32 @!p0 $0x0, s1;
	[sflag:s0] =	ssyncset.done @!p0 $0x0  }
0xf8: {  	[sflag:s0] =	ssyncadd.s32 @!p0 s1  }
0xf9: {  	[bflag:$0x3] =	sbarrier.arrive $0xFFFF  }
0xfa: {  	_ =	shalt  }

</sc_bundles>
